<compile_context>
chip_gen: v7x
topology: tpu7x:2x2x1
jax: 0.10.2.dev20260603
libtpu: 0.0.44.dev20260713+nightly
codegen_flags: <defaults>
</compile_context>

<pallas_src>
import functools

import jax
import jax.numpy as jnp
from jax import lax
from jax.experimental import pallas as pl
from jax.experimental.pallas import tpu as pltpu
from jax.experimental.pallas import tpu_sc as plsc

_BETA = 0.9
_LAM = 3.0
_EPS = 1e-4


def _loss_body(p_ref, t_ref, g_ref, o_ref):
    p = p_ref[...]
    g = g_ref[...]
    t = t_ref[0, 0, :]
    m = jnp.max(p, axis=1, keepdims=True)
    e = jnp.exp(p - m)
    z = jnp.sum(e, axis=1, keepdims=True)
    y = jnp.clip(e / z, _EPS, 1.0 - _EPS)
    s1 = jnp.sum(y, axis=1)
    s2 = jnp.sum(y * y, axis=1)
    d = jnp.sum(g * y, axis=1)
    cls = lax.broadcasted_iota(jnp.int32, p.shape, 1)
    pt = jnp.sum(jnp.where(cls == t[:, None], p, 0.0), axis=1)
    ce = m[:, 0] + jnp.log(z[:, 0]) - pt
    elr = jnp.log(1.0 - (_BETA * d + (1.0 - _BETA) * s2 / s1))
    o_ref[0, 0, :] = ce + _LAM * elr


def _fused_loss(predictions, targets, gathered, block_rows=512,
                interpret=False):
    B, C = predictions.shape
    nb = B // block_rows
    t3 = targets.reshape(nb, 1, block_rows)
    out = pl.pallas_call(
        _loss_body,
        grid=(nb,),
        in_specs=[
            pl.BlockSpec((block_rows, C), lambda i: (i, 0)),
            pl.BlockSpec((1, 1, block_rows), lambda i: (i, 0, 0)),
            pl.BlockSpec((block_rows, C), lambda i: (i, 0)),
        ],
        out_specs=pl.BlockSpec((1, 1, block_rows), lambda i: (i, 0, 0)),
        out_shape=jax.ShapeDtypeStruct((nb, 1, block_rows), jnp.float32),
        interpret=interpret,
    )(predictions, t3, gathered)
    return out.reshape(B)


def _sc_gather(table, indices, chunk=32):
    V, D = table.shape
    B = indices.shape[0]
    info = plsc.get_sparse_core_info()
    nw = info.num_cores * info.num_subcores
    b_per_w = B // nw
    n_ch = b_per_w // chunk
    idx3 = indices.reshape(nw, n_ch, chunk)
    mesh = plsc.VectorSubcoreMesh(core_axis_name="c", subcore_axis_name="s")

    @functools.partial(
        pl.kernel, mesh=mesh,
        out_type=jax.ShapeDtypeStruct((B, D), jnp.float32),
        compiler_params=pltpu.CompilerParams(use_tc_tiling_on_sc=False),
        scratch_types=[
            pltpu.VMEM((n_ch, chunk), jnp.int32),
            pltpu.VMEM((chunk, D), jnp.float32),
            pltpu.VMEM((chunk, D), jnp.float32),
            pltpu.SemaphoreType.DMA,
            pltpu.SemaphoreType.DMA,
            pltpu.SemaphoreType.DMA,
        ],
    )
    def k(table_hbm, idx_hbm, out_hbm, idx_v, rows_a, rows_b, sem_a,
          sem_b, sem_out):
        wid = lax.axis_index("s") * info.num_cores + lax.axis_index("c")
        base = wid * b_per_w
        pltpu.sync_copy(idx_hbm.at[wid], idx_v)
        bufs = (rows_a, rows_b)
        sems = (sem_a, sem_b)
        pltpu.make_async_copy(table_hbm.at[idx_v.at[0]], rows_a, sem_a
                              ).start()
        for ci in range(n_ch):
            cur, nxt = bufs[ci % 2], bufs[(ci + 1) % 2]
            pltpu.make_async_copy(table_hbm.at[idx_v.at[ci]], cur,
                                  sems[ci % 2]).wait()
            if ci + 1 < n_ch:
                pltpu.make_async_copy(table_hbm.at[idx_v.at[ci + 1]], nxt,
                                      sems[(ci + 1) % 2]).start()
            out_cp = pltpu.make_async_copy(
                cur, out_hbm.at[pl.ds(base + ci * chunk, chunk)], sem_out)
            out_cp.start()
            out_cp.wait()

    return k(table, idx3)


def kernel(predictions, targets, indices, targets_buffer):
    gathered = _sc_gather(targets_buffer, indices)
    y = jnp.clip(jax.nn.softmax(predictions, axis=1), _EPS, 1.0 - _EPS)
    s1 = jnp.sum(y, axis=1)
    s2 = jnp.sum(y * y, axis=1)
    d = jnp.sum(gathered * y, axis=1)
    lp = jax.nn.log_softmax(predictions, axis=1)
    ce = -jnp.take_along_axis(lp, targets[:, None], axis=1)[:, 0]
    return ce + _LAM * jnp.log(1.0 - (_BETA * d + (1.0 - _BETA) * s2 / s1))

# --- scband reference (transcript-rebuilt; emitter-appended) ---
"""Pipeline reference for scband-elrloss-49830210568403 (READ-ONLY COPY).

The authoritative reference and input builder live on the scoring server;
editing this copy changes nothing except your own understanding.
"""

import jax, jax.numpy as jnp
import numpy as np

NUM_EXAMPLES = 50000
NUM_CLASSES = 1000
BATCH = 16384
BETA = 0.9
LAM = 3.0


def setup_inputs(seed: int = 0) -> dict:
    key = jax.random.key(seed)
    k1, k2, k3 = jax.random.split(key, 3)
    predictions = jax.random.normal(k1, (BATCH, NUM_CLASSES), dtype=jnp.float32)
    targets = jax.random.randint(k2, (BATCH,), 0, NUM_CLASSES, dtype=jnp.int32)
    indices = jax.random.randint(k3, (BATCH,), 0, NUM_EXAMPLES, dtype=jnp.int32)
    # persistent per-example soft-target buffer (module state, zero-initialized as in torch)
    targets_buffer = jnp.zeros((NUM_EXAMPLES, NUM_CLASSES), dtype=jnp.float32)
    return {"predictions": predictions, "targets": targets, "indices": indices, "targets_buffer": targets_buffer}


def reference(predictions, targets, indices, targets_buffer):
    y_pred = jax.nn.softmax(predictions, axis=1)
    y_pred = jnp.clip(y_pred, 0.0001, 1.0 - 0.0001)
    y_pred_ = jax.lax.stop_gradient(y_pred)
    # EMA update of the per-example soft targets (detached, matches torch .data semantics)
    t_sel = jnp.take(targets_buffer, indices, axis=0)
    t_new = BETA * t_sel + (1.0 - BETA) * (y_pred_ / jnp.sum(y_pred_, axis=1, keepdims=True))
    t_new = jax.lax.stop_gradient(t_new)
    # cross entropy on raw (unclamped) logits, reduction='none'
    log_probs = jax.nn.log_softmax(predictions, axis=1)
    ce_loss = -jnp.take_along_axis(log_probs, targets[:, None], axis=1)[:, 0]
    elr_reg = jnp.log(1.0 - jnp.sum(t_new * y_pred, axis=1))
    per_sample_loss = ce_loss + LAM * elr_reg
    return per_sample_loss

if __name__ == "__main__":
    import jax
    _d = setup_inputs()
    print(jax.jit(kernel)(*tuple(_d.values())))

</pallas_src>

<mosaic_0001>
#map = affine_map<(d0, d1) -> (0, 0)>
#map1 = affine_map<(d0, d1) -> (0, 0, 0)>
module attributes {stable_mosaic.version = 14 : i64} {
  func.func @k(%arg0: i32, %arg1: i32, %arg2: memref<50000x1000xf32, #tpu.memory_space<hbm>>, %arg3: memref<32x16x32xi32, #tpu.memory_space<hbm>>, %arg4: memref<16384x1000xf32, #tpu.memory_space<hbm>>, %arg5: memref<16x32xi32, #tpu.memory_space<vmem>>, %arg6: memref<32x1000xf32, #tpu.memory_space<vmem>>, %arg7: memref<32x1000xf32, #tpu.memory_space<vmem>>, %arg8: memref<!tpu.dma_semaphore, #tpu.memory_space<semaphore_mem>>, %arg9: memref<!tpu.dma_semaphore, #tpu.memory_space<semaphore_mem>>, %arg10: memref<!tpu.dma_semaphore, #tpu.memory_space<semaphore_mem>>) attributes {dimension_semantics = [#tpu.dimension_semantics<core_parallel>, #tpu.dimension_semantics<subcore_parallel>], iteration_bounds = array<i64: 2, 16>, scalar_prefetch = 0 : i64, scratch_operands = 6 : i64, tpu.core_type = #tpu.core_type<sc_vector_subcore>, window_params = [{transform_indices = #map}, {transform_indices = #map1}, {transform_indices = #map}]} {
    %mul3A = arith.constant 2 : i32
    %mul3A_0 = arith.muli %arg1, %mul3A : i32
    %add3A = arith.addi %mul3A_0, %arg0 : i32
    %mul3A_1 = arith.constant 512 : i32
    %mul3A_2 = arith.muli %add3A, %mul3A_1 : i32
    "tpu.region"() ({
      %run_scoped3A = tpu.sem_alloc : memref<!tpu.dma_semaphore, #tpu.memory_space<semaphore_mem>>
      %dma_start3A_385 = arith.constant 0 : i32
      %dma_start3A_386 = arith.constant 0 : i32
      %dma_start3A_387 = tpu.memref_slice %arg3[%add3A, %dma_start3A_385, %dma_start3A_386] : memref<32x16x32xi32, #tpu.memory_space<hbm>> -> memref<1x16x32xi32, #tpu.memory_space<hbm>>
      %dma_start3A_388 = tpu.memref_squeeze %dma_start3A_387 : memref<1x16x32xi32, #tpu.memory_space<hbm>> -> memref<16x32xi32, #tpu.memory_space<hbm>>
      %dma_start3A_389 = arith.constant 0 : i32
      %dma_start3A_390 = arith.constant 0 : i32
      %dma_start3A_391 = tpu.memref_slice %arg3[%add3A, %dma_start3A_389, %dma_start3A_390] : memref<32x16x32xi32, #tpu.memory_space<hbm>> -> memref<1x16x32xi32, #tpu.memory_space<hbm>>
      %dma_start3A_392 = tpu.memref_squeeze %dma_start3A_391 : memref<1x16x32xi32, #tpu.memory_space<hbm>> -> memref<16x32xi32, #tpu.memory_space<hbm>>
      tpu.enqueue_dma source(%dma_start3A_392 : memref<16x32xi32, #tpu.memory_space<hbm>>) target(%arg5 : memref<16x32xi32, #tpu.memory_space<vmem>>) target_semaphore(%run_scoped3A : memref<!tpu.dma_semaphore, #tpu.memory_space<semaphore_mem>>)
      %dma_wait3A_393 = arith.constant 0 : i32
      %dma_wait3A_394 = arith.constant 0 : i32
      %dma_wait3A_395 = tpu.memref_slice %arg3[%add3A, %dma_wait3A_393, %dma_wait3A_394] : memref<32x16x32xi32, #tpu.memory_space<hbm>> -> memref<1x16x32xi32, #tpu.memory_space<hbm>>
      %dma_wait3A_396 = tpu.memref_squeeze %dma_wait3A_395 : memref<1x16x32xi32, #tpu.memory_space<hbm>> -> memref<16x32xi32, #tpu.memory_space<hbm>>
      %dma_wait3A_397 = arith.constant 0 : i32
      %dma_wait3A_398 = arith.constant 0 : i32
      %dma_wait3A_399 = tpu.memref_slice %arg3[%add3A, %dma_wait3A_397, %dma_wait3A_398] : memref<32x16x32xi32, #tpu.memory_space<hbm>> -> memref<1x16x32xi32, #tpu.memory_space<hbm>>
      %dma_wait3A_400 = tpu.memref_squeeze %dma_wait3A_399 : memref<1x16x32xi32, #tpu.memory_space<hbm>> -> memref<16x32xi32, #tpu.memory_space<hbm>>
      tpu.wait_dma2 semaphore(%run_scoped3A : memref<!tpu.dma_semaphore, #tpu.memory_space<semaphore_mem>>) src(%dma_wait3A_400 : memref<16x32xi32, #tpu.memory_space<hbm>>) dst(%arg5 : memref<16x32xi32, #tpu.memory_space<vmem>>)
      tpu.yield
    }) : () -> ()
    %dma_start3A = arith.constant 0 : i32
    %dma_start3A_3 = arith.constant 0 : i32
    %dma_start3A_4 = tpu.memref_slice %arg5[%dma_start3A, %dma_start3A_3] : memref<16x32xi32, #tpu.memory_space<vmem>> -> memref<1x32xi32, #tpu.memory_space<vmem>>
    %dma_start3A_5 = tpu.memref_squeeze %dma_start3A_4 : memref<1x32xi32, #tpu.memory_space<vmem>> -> memref<32xi32, #tpu.memory_space<vmem>>
    %dma_start3A_6 = arith.constant 0 : i32
    %dma_start3A_7 = arith.constant 0 : i32
    %dma_start3A_8 = tpu.memref_slice %arg2[%dma_start3A_6, %dma_start3A_7] : memref<50000x1000xf32, #tpu.memory_space<hbm>> -> memref<50000x1000xf32, #tpu.memory_space<hbm>>
    tpu.enqueue_indirect_dma source(%dma_start3A_8 : memref<50000x1000xf32, #tpu.memory_space<hbm>>) target(%arg6 : memref<32x1000xf32, #tpu.memory_space<vmem>>) offsets(%dma_start3A_5 : memref<32xi32, #tpu.memory_space<vmem>>) semaphore(%arg8 : memref<!tpu.dma_semaphore, #tpu.memory_space<semaphore_mem>>)
    %dma_wait3A = arith.constant 0 : i32
    %dma_wait3A_9 = arith.constant 0 : i32
    %dma_wait3A_10 = tpu.memref_slice %arg5[%dma_wait3A, %dma_wait3A_9] : memref<16x32xi32, #tpu.memory_space<vmem>> -> memref<1x32xi32, #tpu.memory_space<vmem>>
    %dma_wait3A_11 = tpu.memref_squeeze %dma_wait3A_10 : memref<1x32xi32, #tpu.memory_space<vmem>> -> memref<32xi32, #tpu.memory_space<vmem>>
    %dma_wait3A_12 = arith.constant 0 : i32
    %dma_wait3A_13 = arith.constant 0 : i32
    %dma_wait3A_14 = tpu.memref_slice %arg2[%dma_wait3A_12, %dma_wait3A_13] : memref<50000x1000xf32, #tpu.memory_space<hbm>> -> memref<50000x1000xf32, #tpu.memory_space<hbm>>
    tpu.wait_indirect_dma semaphore(%arg8 : memref<!tpu.dma_semaphore, #tpu.memory_space<semaphore_mem>>) src(%dma_wait3A_14 : memref<50000x1000xf32, #tpu.memory_space<hbm>>) dst(%arg6 : memref<32x1000xf32, #tpu.memory_space<vmem>>)
    %dma_start3A_15 = arith.constant 1 : i32
    %dma_start3A_16 = arith.constant 0 : i32
    %dma_start3A_17 = tpu.memref_slice %arg5[%dma_start3A_15, %dma_start3A_16] : memref<16x32xi32, #tpu.memory_space<vmem>> -> memref<1x32xi32, #tpu.memory_space<vmem>>
    %dma_start3A_18 = tpu.memref_squeeze %dma_start3A_17 : memref<1x32xi32, #tpu.memory_space<vmem>> -> memref<32xi32, #tpu.memory_space<vmem>>
    %dma_start3A_19 = arith.constant 0 : i32
    %dma_start3A_20 = arith.constant 0 : i32
    %dma_start3A_21 = tpu.memref_slice %arg2[%dma_start3A_19, %dma_start3A_20] : memref<50000x1000xf32, #tpu.memory_space<hbm>> -> memref<50000x1000xf32, #tpu.memory_space<hbm>>
    tpu.enqueue_indirect_dma source(%dma_start3A_21 : memref<50000x1000xf32, #tpu.memory_space<hbm>>) target(%arg7 : memref<32x1000xf32, #tpu.memory_space<vmem>>) offsets(%dma_start3A_18 : memref<32xi32, #tpu.memory_space<vmem>>) semaphore(%arg9 : memref<!tpu.dma_semaphore, #tpu.memory_space<semaphore_mem>>)
    %add3A_22 = arith.constant 0 : i32
    %add3A_23 = arith.addi %mul3A_2, %add3A_22 : i32
    %dma_start3A_24 = arith.constant 0 : i32
    %dma_start3A_25 = tpu.memref_slice %arg4[%add3A_23, %dma_start3A_24] : memref<16384x1000xf32, #tpu.memory_space<hbm>> -> memref<32x1000xf32, #tpu.memory_space<hbm>>
    %dma_start3A_26 = arith.constant 0 : i32
    %dma_start3A_27 = tpu.memref_slice %arg4[%add3A_23, %dma_start3A_26] : memref<16384x1000xf32, #tpu.memory_space<hbm>> -> memref<32x1000xf32, #tpu.memory_space<hbm>>
    tpu.enqueue_dma source(%arg6 : memref<32x1000xf32, #tpu.memory_space<vmem>>) target(%dma_start3A_27 : memref<32x1000xf32, #tpu.memory_space<hbm>>) target_semaphore(%arg10 : memref<!tpu.dma_semaphore, #tpu.memory_space<semaphore_mem>>)
    %dma_wait3A_28 = arith.constant 0 : i32
    %dma_wait3A_29 = tpu.memref_slice %arg4[%add3A_23, %dma_wait3A_28] : memref<16384x1000xf32, #tpu.memory_space<hbm>> -> memref<32x1000xf32, #tpu.memory_space<hbm>>
    %dma_wait3A_30 = arith.constant 0 : i32
    %dma_wait3A_31 = tpu.memref_slice %arg4[%add3A_23, %dma_wait3A_30] : memref<16384x1000xf32, #tpu.memory_space<hbm>> -> memref<32x1000xf32, #tpu.memory_space<hbm>>
    tpu.wait_dma2 semaphore(%arg10 : memref<!tpu.dma_semaphore, #tpu.memory_space<semaphore_mem>>) src(%arg6 : memref<32x1000xf32, #tpu.memory_space<vmem>>) dst(%dma_wait3A_31 : memref<32x1000xf32, #tpu.memory_space<hbm>>)
    %dma_wait3A_32 = arith.constant 1 : i32
    %dma_wait3A_33 = arith.constant 0 : i32
    %dma_wait3A_34 = tpu.memref_slice %arg5[%dma_wait3A_32, %dma_wait3A_33] : memref<16x32xi32, #tpu.memory_space<vmem>> -> memref<1x32xi32, #tpu.memory_space<vmem>>
    %dma_wait3A_35 = tpu.memref_squeeze %dma_wait3A_34 : memref<1x32xi32, #tpu.memory_space<vmem>> -> memref<32xi32, #tpu.memory_space<vmem>>
    %dma_wait3A_36 = arith.constant 0 : i32
    %dma_wait3A_37 = arith.constant 0 : i32
    %dma_wait3A_38 = tpu.memref_slice %arg2[%dma_wait3A_36, %dma_wait3A_37] : memref<50000x1000xf32, #tpu.memory_space<hbm>> -> memref<50000x1000xf32, #tpu.memory_space<hbm>>
    tpu.wait_indirect_dma semaphore(%arg9 : memref<!tpu.dma_semaphore, #tpu.memory_space<semaphore_mem>>) src(%dma_wait3A_38 : memref<50000x1000xf32, #tpu.memory_space<hbm>>) dst(%arg7 : memref<32x1000xf32, #tpu.memory_space<vmem>>)
    %dma_start3A_39 = arith.constant 2 : i32
    %dma_start3A_40 = arith.constant 0 : i32
    %dma_start3A_41 = tpu.memref_slice %arg5[%dma_start3A_39, %dma_start3A_40] : memref<16x32xi32, #tpu.memory_space<vmem>> -> memref<1x32xi32, #tpu.memory_space<vmem>>
    %dma_start3A_42 = tpu.memref_squeeze %dma_start3A_41 : memref<1x32xi32, #tpu.memory_space<vmem>> -> memref<32xi32, #tpu.memory_space<vmem>>
    %dma_start3A_43 = arith.constant 0 : i32
    %dma_start3A_44 = arith.constant 0 : i32
    %dma_start3A_45 = tpu.memref_slice %arg2[%dma_start3A_43, %dma_start3A_44] : memref<50000x1000xf32, #tpu.memory_space<hbm>> -> memref<50000x1000xf32, #tpu.memory_space<hbm>>
    tpu.enqueue_indirect_dma source(%dma_start3A_45 : memref<50000x1000xf32, #tpu.memory_space<hbm>>) target(%arg6 : memref<32x1000xf32, #tpu.memory_space<vmem>>) offsets(%dma_start3A_42 : memref<32xi32, #tpu.memory_space<vmem>>) semaphore(%arg8 : memref<!tpu.dma_semaphore, #tpu.memory_space<semaphore_mem>>)
    %add3A_46 = arith.constant 32 : i32
    %add3A_47 = arith.addi %mul3A_2, %add3A_46 : i32
    %dma_start3A_48 = arith.constant 0 : i32
    %dma_start3A_49 = tpu.memref_slice %arg4[%add3A_47, %dma_start3A_48] : memref<16384x1000xf32, #tpu.memory_space<hbm>> -> memref<32x1000xf32, #tpu.memory_space<hbm>>
    %dma_start3A_50 = arith.constant 0 : i32
    %dma_start3A_51 = tpu.memref_slice %arg4[%add3A_47, %dma_start3A_50] : memref<16384x1000xf32, #tpu.memory_space<hbm>> -> memref<32x1000xf32, #tpu.memory_space<hbm>>
    tpu.enqueue_dma source(%arg7 : memref<32x1000xf32, #tpu.memory_space<vmem>>) target(%dma_start3A_51 : memref<32x1000xf32, #tpu.memory_space<hbm>>) target_semaphore(%arg10 : memref<!tpu.dma_semaphore, #tpu.memory_space<semaphore_mem>>)
    %dma_wait3A_52 = arith.constant 0 : i32
    %dma_wait3A_53 = tpu.memref_slice %arg4[%add3A_47, %dma_wait3A_52] : memref<16384x1000xf32, #tpu.memory_space<hbm>> -> memref<32x1000xf32, #tpu.memory_space<hbm>>
    %dma_wait3A_54 = arith.constant 0 : i32
    %dma_wait3A_55 = tpu.memref_slice %arg4[%add3A_47, %dma_wait3A_54] : memref<16384x1000xf32, #tpu.memory_space<hbm>> -> memref<32x1000xf32, #tpu.memory_space<hbm>>
    tpu.wait_dma2 semaphore(%arg10 : memref<!tpu.dma_semaphore, #tpu.memory_space<semaphore_mem>>) src(%arg7 : memref<32x1000xf32, #tpu.memory_space<vmem>>) dst(%dma_wait3A_55 : memref<32x1000xf32, #tpu.memory_space<hbm>>)
    %dma_wait3A_56 = arith.constant 2 : i32
    %dma_wait3A_57 = arith.constant 0 : i32
    %dma_wait3A_58 = tpu.memref_slice %arg5[%dma_wait3A_56, %dma_wait3A_57] : memref<16x32xi32, #tpu.memory_space<vmem>> -> memref<1x32xi32, #tpu.memory_space<vmem>>
    %dma_wait3A_59 = tpu.memref_squeeze %dma_wait3A_58 : memref<1x32xi32, #tpu.memory_space<vmem>> -> memref<32xi32, #tpu.memory_space<vmem>>
    %dma_wait3A_60 = arith.constant 0 : i32
    %dma_wait3A_61 = arith.constant 0 : i32
    %dma_wait3A_62 = tpu.memref_slice %arg2[%dma_wait3A_60, %dma_wait3A_61] : memref<50000x1000xf32, #tpu.memory_space<hbm>> -> memref<50000x1000xf32, #tpu.memory_space<hbm>>
    tpu.wait_indirect_dma semaphore(%arg8 : memref<!tpu.dma_semaphore, #tpu.memory_space<semaphore_mem>>) src(%dma_wait3A_62 : memref<50000x1000xf32, #tpu.memory_space<hbm>>) dst(%arg6 : memref<32x1000xf32, #tpu.memory_space<vmem>>)
    %dma_start3A_63 = arith.constant 3 : i32
    %dma_start3A_64 = arith.constant 0 : i32
    %dma_start3A_65 = tpu.memref_slice %arg5[%dma_start3A_63, %dma_start3A_64] : memref<16x32xi32, #tpu.memory_space<vmem>> -> memref<1x32xi32, #tpu.memory_space<vmem>>
    %dma_start3A_66 = tpu.memref_squeeze %dma_start3A_65 : memref<1x32xi32, #tpu.memory_space<vmem>> -> memref<32xi32, #tpu.memory_space<vmem>>
    %dma_start3A_67 = arith.constant 0 : i32
    %dma_start3A_68 = arith.constant 0 : i32
    %dma_start3A_69 = tpu.memref_slice %arg2[%dma_start3A_67, %dma_start3A_68] : memref<50000x1000xf32, #tpu.memory_space<hbm>> -> memref<50000x1000xf32, #tpu.memory_space<hbm>>
    tpu.enqueue_indirect_dma source(%dma_start3A_69 : memref<50000x1000xf32, #tpu.memory_space<hbm>>) target(%arg7 : memref<32x1000xf32, #tpu.memory_space<vmem>>) offsets(%dma_start3A_66 : memref<32xi32, #tpu.memory_space<vmem>>) semaphore(%arg9 : memref<!tpu.dma_semaphore, #tpu.memory_space<semaphore_mem>>)
    %add3A_70 = arith.constant 64 : i32
    %add3A_71 = arith.addi %mul3A_2, %add3A_70 : i32
    %dma_start3A_72 = arith.constant 0 : i32
    %dma_start3A_73 = tpu.memref_slice %arg4[%add3A_71, %dma_start3A_72] : memref<16384x1000xf32, #tpu.memory_space<hbm>> -> memref<32x1000xf32, #tpu.memory_space<hbm>>
    %dma_start3A_74 = arith.constant 0 : i32
    %dma_start3A_75 = tpu.memref_slice %arg4[%add3A_71, %dma_start3A_74] : memref<16384x1000xf32, #tpu.memory_space<hbm>> -> memref<32x1000xf32, #tpu.memory_space<hbm>>
    tpu.enqueue_dma source(%arg6 : memref<32x1000xf32, #tpu.memory_space<vmem>>) target(%dma_start3A_75 : memref<32x1000xf32, #tpu.memory_space<hbm>>) target_semaphore(%arg10 : memref<!tpu.dma_semaphore, #tpu.memory_space<semaphore_mem>>)
    %dma_wait3A_76 = arith.constant 0 : i32
    %dma_wait3A_77 = tpu.memref_slice %arg4[%add3A_71, %dma_wait3A_76] : memref<16384x1000xf32, #tpu.memory_space<hbm>> -> memref<32x1000xf32, #tpu.memory_space<hbm>>
    %dma_wait3A_78 = arith.constant 0 : i32
    %dma_wait3A_79 = tpu.memref_slice %arg4[%add3A_71, %dma_wait3A_78] : memref<16384x1000xf32, #tpu.memory_space<hbm>> -> memref<32x1000xf32, #tpu.memory_space<hbm>>
    tpu.wait_dma2 semaphore(%arg10 : memref<!tpu.dma_semaphore, #tpu.memory_space<semaphore_mem>>) src(%arg6 : memref<32x1000xf32, #tpu.memory_space<vmem>>) dst(%dma_wait3A_79 : memref<32x1000xf32, #tpu.memory_space<hbm>>)
    %dma_wait3A_80 = arith.constant 3 : i32
    %dma_wait3A_81 = arith.constant 0 : i32
    %dma_wait3A_82 = tpu.memref_slice %arg5[%dma_wait3A_80, %dma_wait3A_81] : memref<16x32xi32, #tpu.memory_space<vmem>> -> memref<1x32xi32, #tpu.memory_space<vmem>>
    %dma_wait3A_83 = tpu.memref_squeeze %dma_wait3A_82 : memref<1x32xi32, #tpu.memory_space<vmem>> -> memref<32xi32, #tpu.memory_space<vmem>>
    %dma_wait3A_84 = arith.constant 0 : i32
    %dma_wait3A_85 = arith.constant 0 : i32
    %dma_wait3A_86 = tpu.memref_slice %arg2[%dma_wait3A_84, %dma_wait3A_85] : memref<50000x1000xf32, #tpu.memory_space<hbm>> -> memref<50000x1000xf32, #tpu.memory_space<hbm>>
    tpu.wait_indirect_dma semaphore(%arg9 : memref<!tpu.dma_semaphore, #tpu.memory_space<semaphore_mem>>) src(%dma_wait3A_86 : memref<50000x1000xf32, #tpu.memory_space<hbm>>) dst(%arg7 : memref<32x1000xf32, #tpu.memory_space<vmem>>)
    %dma_start3A_87 = arith.constant 4 : i32
    %dma_start3A_88 = arith.constant 0 : i32
    %dma_start3A_89 = tpu.memref_slice %arg5[%dma_start3A_87, %dma_start3A_88] : memref<16x32xi32, #tpu.memory_space<vmem>> -> memref<1x32xi32, #tpu.memory_space<vmem>>
    %dma_start3A_90 = tpu.memref_squeeze %dma_start3A_89 : memref<1x32xi32, #tpu.memory_space<vmem>> -> memref<32xi32, #tpu.memory_space<vmem>>
    %dma_start3A_91 = arith.constant 0 : i32
    %dma_start3A_92 = arith.constant 0 : i32
    %dma_start3A_93 = tpu.memref_slice %arg2[%dma_start3A_91, %dma_start3A_92] : memref<50000x1000xf32, #tpu.memory_space<hbm>> -> memref<50000x1000xf32, #tpu.memory_space<hbm>>
    tpu.enqueue_indirect_dma source(%dma_start3A_93 : memref<50000x1000xf32, #tpu.memory_space<hbm>>) target(%arg6 : memref<32x1000xf32, #tpu.memory_space<vmem>>) offsets(%dma_start3A_90 : memref<32xi32, #tpu.memory_space<vmem>>) semaphore(%arg8 : memref<!tpu.dma_semaphore, #tpu.memory_space<semaphore_mem>>)
    %add3A_94 = arith.constant 96 : i32
    %add3A_95 = arith.addi %mul3A_2, %add3A_94 : i32
    %dma_start3A_96 = arith.constant 0 : i32
    %dma_start3A_97 = tpu.memref_slice %arg4[%add3A_95, %dma_start3A_96] : memref<16384x1000xf32, #tpu.memory_space<hbm>> -> memref<32x1000xf32, #tpu.memory_space<hbm>>
    %dma_start3A_98 = arith.constant 0 : i32
    %dma_start3A_99 = tpu.memref_slice %arg4[%add3A_95, %dma_start3A_98] : memref<16384x1000xf32, #tpu.memory_space<hbm>> -> memref<32x1000xf32, #tpu.memory_space<hbm>>
    tpu.enqueue_dma source(%arg7 : memref<32x1000xf32, #tpu.memory_space<vmem>>) target(%dma_start3A_99 : memref<32x1000xf32, #tpu.memory_space<hbm>>) target_semaphore(%arg10 : memref<!tpu.dma_semaphore, #tpu.memory_space<semaphore_mem>>)
    %dma_wait3A_100 = arith.constant 0 : i32
    %dma_wait3A_101 = tpu.memref_slice %arg4[%add3A_95, %dma_wait3A_100] : memref<16384x1000xf32, #tpu.memory_space<hbm>> -> memref<32x1000xf32, #tpu.memory_space<hbm>>
    %dma_wait3A_102 = arith.constant 0 : i32
    %dma_wait3A_103 = tpu.memref_slice %arg4[%add3A_95, %dma_wait3A_102] : memref<16384x1000xf32, #tpu.memory_space<hbm>> -> memref<32x1000xf32, #tpu.memory_space<hbm>>
    tpu.wait_dma2 semaphore(%arg10 : memref<!tpu.dma_semaphore, #tpu.memory_space<semaphore_mem>>) src(%arg7 : memref<32x1000xf32, #tpu.memory_space<vmem>>) dst(%dma_wait3A_103 : memref<32x1000xf32, #tpu.memory_space<hbm>>)
    %dma_wait3A_104 = arith.constant 4 : i32
    %dma_wait3A_105 = arith.constant 0 : i32
    %dma_wait3A_106 = tpu.memref_slice %arg5[%dma_wait3A_104, %dma_wait3A_105] : memref<16x32xi32, #tpu.memory_space<vmem>> -> memref<1x32xi32, #tpu.memory_space<vmem>>
    %dma_wait3A_107 = tpu.memref_squeeze %dma_wait3A_106 : memref<1x32xi32, #tpu.memory_space<vmem>> -> memref<32xi32, #tpu.memory_space<vmem>>
    %dma_wait3A_108 = arith.constant 0 : i32
    %dma_wait3A_109 = arith.constant 0 : i32
    %dma_wait3A_110 = tpu.memref_slice %arg2[%dma_wait3A_108, %dma_wait3A_109] : memref<50000x1000xf32, #tpu.memory_space<hbm>> -> memref<50000x1000xf32, #tpu.memory_space<hbm>>
    tpu.wait_indirect_dma semaphore(%arg8 : memref<!tpu.dma_semaphore, #tpu.memory_space<semaphore_mem>>) src(%dma_wait3A_110 : memref<50000x1000xf32, #tpu.memory_space<hbm>>) dst(%arg6 : memref<32x1000xf32, #tpu.memory_space<vmem>>)
    %dma_start3A_111 = arith.constant 5 : i32
    %dma_start3A_112 = arith.constant 0 : i32
    %dma_start3A_113 = tpu.memref_slice %arg5[%dma_start3A_111, %dma_start3A_112] : memref<16x32xi32, #tpu.memory_space<vmem>> -> memref<1x32xi32, #tpu.memory_space<vmem>>
    %dma_start3A_114 = tpu.memref_squeeze %dma_start3A_113 : memref<1x32xi32, #tpu.memory_space<vmem>> -> memref<32xi32, #tpu.memory_space<vmem>>
    %dma_start3A_115 = arith.constant 0 : i32
    %dma_start3A_116 = arith.constant 0 : i32
    %dma_start3A_117 = tpu.memref_slice %arg2[%dma_start3A_115, %dma_start3A_116] : memref<50000x1000xf32, #tpu.memory_space<hbm>> -> memref<50000x1000xf32, #tpu.memory_space<hbm>>
    tpu.enqueue_indirect_dma source(%dma_start3A_117 : memref<50000x1000xf32, #tpu.memory_space<hbm>>) target(%arg7 : memref<32x1000xf32, #tpu.memory_space<vmem>>) offsets(%dma_start3A_114 : memref<32xi32, #tpu.memory_space<vmem>>) semaphore(%arg9 : memref<!tpu.dma_semaphore, #tpu.memory_space<semaphore_mem>>)
    %add3A_118 = arith.constant 128 : i32
    %add3A_119 = arith.addi %mul3A_2, %add3A_118 : i32
    %dma_start3A_120 = arith.constant 0 : i32
    %dma_start3A_121 = tpu.memref_slice %arg4[%add3A_119, %dma_start3A_120] : memref<16384x1000xf32, #tpu.memory_space<hbm>> -> memref<32x1000xf32, #tpu.memory_space<hbm>>
    %dma_start3A_122 = arith.constant 0 : i32
    %dma_start3A_123 = tpu.memref_slice %arg4[%add3A_119, %dma_start3A_122] : memref<16384x1000xf32, #tpu.memory_space<hbm>> -> memref<32x1000xf32, #tpu.memory_space<hbm>>
    tpu.enqueue_dma source(%arg6 : memref<32x1000xf32, #tpu.memory_space<vmem>>) target(%dma_start3A_123 : memref<32x1000xf32, #tpu.memory_space<hbm>>) target_semaphore(%arg10 : memref<!tpu.dma_semaphore, #tpu.memory_space<semaphore_mem>>)
    %dma_wait3A_124 = arith.constant 0 : i32
    %dma_wait3A_125 = tpu.memref_slice %arg4[%add3A_119, %dma_wait3A_124] : memref<16384x1000xf32, #tpu.memory_space<hbm>> -> memref<32x1000xf32, #tpu.memory_space<hbm>>
    %dma_wait3A_126 = arith.constant 0 : i32
    %dma_wait3A_127 = tpu.memref_slice %arg4[%add3A_119, %dma_wait3A_126] : memref<16384x1000xf32, #tpu.memory_space<hbm>> -> memref<32x1000xf32, #tpu.memory_space<hbm>>
    tpu.wait_dma2 semaphore(%arg10 : memref<!tpu.dma_semaphore, #tpu.memory_space<semaphore_mem>>) src(%arg6 : memref<32x1000xf32, #tpu.memory_space<vmem>>) dst(%dma_wait3A_127 : memref<32x1000xf32, #tpu.memory_space<hbm>>)
    %dma_wait3A_128 = arith.constant 5 : i32
    %dma_wait3A_129 = arith.constant 0 : i32
    %dma_wait3A_130 = tpu.memref_slice %arg5[%dma_wait3A_128, %dma_wait3A_129] : memref<16x32xi32, #tpu.memory_space<vmem>> -> memref<1x32xi32, #tpu.memory_space<vmem>>
    %dma_wait3A_131 = tpu.memref_squeeze %dma_wait3A_130 : memref<1x32xi32, #tpu.memory_space<vmem>> -> memref<32xi32, #tpu.memory_space<vmem>>
    %dma_wait3A_132 = arith.constant 0 : i32
    %dma_wait3A_133 = arith.constant 0 : i32
    %dma_wait3A_134 = tpu.memref_slice %arg2[%dma_wait3A_132, %dma_wait3A_133] : memref<50000x1000xf32, #tpu.memory_space<hbm>> -> memref<50000x1000xf32, #tpu.memory_space<hbm>>
    tpu.wait_indirect_dma semaphore(%arg9 : memref<!tpu.dma_semaphore, #tpu.memory_space<semaphore_mem>>) src(%dma_wait3A_134 : memref<50000x1000xf32, #tpu.memory_space<hbm>>) dst(%arg7 : memref<32x1000xf32, #tpu.memory_space<vmem>>)
    %dma_start3A_135 = arith.constant 6 : i32
    %dma_start3A_136 = arith.constant 0 : i32
    %dma_start3A_137 = tpu.memref_slice %arg5[%dma_start3A_135, %dma_start3A_136] : memref<16x32xi32, #tpu.memory_space<vmem>> -> memref<1x32xi32, #tpu.memory_space<vmem>>
    %dma_start3A_138 = tpu.memref_squeeze %dma_start3A_137 : memref<1x32xi32, #tpu.memory_space<vmem>> -> memref<32xi32, #tpu.memory_space<vmem>>
    %dma_start3A_139 = arith.constant 0 : i32
    %dma_start3A_140 = arith.constant 0 : i32
    %dma_start3A_141 = tpu.memref_slice %arg2[%dma_start3A_139, %dma_start3A_140] : memref<50000x1000xf32, #tpu.memory_space<hbm>> -> memref<50000x1000xf32, #tpu.memory_space<hbm>>
    tpu.enqueue_indirect_dma source(%dma_start3A_141 : memref<50000x1000xf32, #tpu.memory_space<hbm>>) target(%arg6 : memref<32x1000xf32, #tpu.memory_space<vmem>>) offsets(%dma_start3A_138 : memref<32xi32, #tpu.memory_space<vmem>>) semaphore(%arg8 : memref<!tpu.dma_semaphore, #tpu.memory_space<semaphore_mem>>)
    %add3A_142 = arith.constant 160 : i32
    %add3A_143 = arith.addi %mul3A_2, %add3A_142 : i32
    %dma_start3A_144 = arith.constant 0 : i32
    %dma_start3A_145 = tpu.memref_slice %arg4[%add3A_143, %dma_start3A_144] : memref<16384x1000xf32, #tpu.memory_space<hbm>> -> memref<32x1000xf32, #tpu.memory_space<hbm>>
    %dma_start3A_146 = arith.constant 0 : i32
    %dma_start3A_147 = tpu.memref_slice %arg4[%add3A_143, %dma_start3A_146] : memref<16384x1000xf32, #tpu.memory_space<hbm>> -> memref<32x1000xf32, #tpu.memory_space<hbm>>
    tpu.enqueue_dma source(%arg7 : memref<32x1000xf32, #tpu.memory_space<vmem>>) target(%dma_start3A_147 : memref<32x1000xf32, #tpu.memory_space<hbm>>) target_semaphore(%arg10 : memref<!tpu.dma_semaphore, #tpu.memory_space<semaphore_mem>>)
    %dma_wait3A_148 = arith.constant 0 : i32
    %dma_wait3A_149 = tpu.memref_slice %arg4[%add3A_143, %dma_wait3A_148] : memref<16384x1000xf32, #tpu.memory_space<hbm>> -> memref<32x1000xf32, #tpu.memory_space<hbm>>
    %dma_wait3A_150 = arith.constant 0 : i32
    %dma_wait3A_151 = tpu.memref_slice %arg4[%add3A_143, %dma_wait3A_150] : memref<16384x1000xf32, #tpu.memory_space<hbm>> -> memref<32x1000xf32, #tpu.memory_space<hbm>>
    tpu.wait_dma2 semaphore(%arg10 : memref<!tpu.dma_semaphore, #tpu.memory_space<semaphore_mem>>) src(%arg7 : memref<32x1000xf32, #tpu.memory_space<vmem>>) dst(%dma_wait3A_151 : memref<32x1000xf32, #tpu.memory_space<hbm>>)
    %dma_wait3A_152 = arith.constant 6 : i32
    %dma_wait3A_153 = arith.constant 0 : i32
    %dma_wait3A_154 = tpu.memref_slice %arg5[%dma_wait3A_152, %dma_wait3A_153] : memref<16x32xi32, #tpu.memory_space<vmem>> -> memref<1x32xi32, #tpu.memory_space<vmem>>
    %dma_wait3A_155 = tpu.memref_squeeze %dma_wait3A_154 : memref<1x32xi32, #tpu.memory_space<vmem>> -> memref<32xi32, #tpu.memory_space<vmem>>
    %dma_wait3A_156 = arith.constant 0 : i32
    %dma_wait3A_157 = arith.constant 0 : i32
    %dma_wait3A_158 = tpu.memref_slice %arg2[%dma_wait3A_156, %dma_wait3A_157] : memref<50000x1000xf32, #tpu.memory_space<hbm>> -> memref<50000x1000xf32, #tpu.memory_space<hbm>>
    tpu.wait_indirect_dma semaphore(%arg8 : memref<!tpu.dma_semaphore, #tpu.memory_space<semaphore_mem>>) src(%dma_wait3A_158 : memref<50000x1000xf32, #tpu.memory_space<hbm>>) dst(%arg6 : memref<32x1000xf32, #tpu.memory_space<vmem>>)
    %dma_start3A_159 = arith.constant 7 : i32
    %dma_start3A_160 = arith.constant 0 : i32
    %dma_start3A_161 = tpu.memref_slice %arg5[%dma_start3A_159, %dma_start3A_160] : memref<16x32xi32, #tpu.memory_space<vmem>> -> memref<1x32xi32, #tpu.memory_space<vmem>>
    %dma_start3A_162 = tpu.memref_squeeze %dma_start3A_161 : memref<1x32xi32, #tpu.memory_space<vmem>> -> memref<32xi32, #tpu.memory_space<vmem>>
    %dma_start3A_163 = arith.constant 0 : i32
    %dma_start3A_164 = arith.constant 0 : i32
    %dma_start3A_165 = tpu.memref_slice %arg2[%dma_start3A_163, %dma_start3A_164] : memref<50000x1000xf32, #tpu.memory_space<hbm>> -> memref<50000x1000xf32, #tpu.memory_space<hbm>>
    tpu.enqueue_indirect_dma source(%dma_start3A_165 : memref<50000x1000xf32, #tpu.memory_space<hbm>>) target(%arg7 : memref<32x1000xf32, #tpu.memory_space<vmem>>) offsets(%dma_start3A_162 : memref<32xi32, #tpu.memory_space<vmem>>) semaphore(%arg9 : memref<!tpu.dma_semaphore, #tpu.memory_space<semaphore_mem>>)
    %add3A_166 = arith.constant 192 : i32
    %add3A_167 = arith.addi %mul3A_2, %add3A_166 : i32
    %dma_start3A_168 = arith.constant 0 : i32
    %dma_start3A_169 = tpu.memref_slice %arg4[%add3A_167, %dma_start3A_168] : memref<16384x1000xf32, #tpu.memory_space<hbm>> -> memref<32x1000xf32, #tpu.memory_space<hbm>>
    %dma_start3A_170 = arith.constant 0 : i32
    %dma_start3A_171 = tpu.memref_slice %arg4[%add3A_167, %dma_start3A_170] : memref<16384x1000xf32, #tpu.memory_space<hbm>> -> memref<32x1000xf32, #tpu.memory_space<hbm>>
    tpu.enqueue_dma source(%arg6 : memref<32x1000xf32, #tpu.memory_space<vmem>>) target(%dma_start3A_171 : memref<32x1000xf32, #tpu.memory_space<hbm>>) target_semaphore(%arg10 : memref<!tpu.dma_semaphore, #tpu.memory_space<semaphore_mem>>)
    %dma_wait3A_172 = arith.constant 0 : i32
    %dma_wait3A_173 = tpu.memref_slice %arg4[%add3A_167, %dma_wait3A_172] : memref<16384x1000xf32, #tpu.memory_space<hbm>> -> memref<32x1000xf32, #tpu.memory_space<hbm>>
    %dma_wait3A_174 = arith.constant 0 : i32
    %dma_wait3A_175 = tpu.memref_slice %arg4[%add3A_167, %dma_wait3A_174] : memref<16384x1000xf32, #tpu.memory_space<hbm>> -> memref<32x1000xf32, #tpu.memory_space<hbm>>
    tpu.wait_dma2 semaphore(%arg10 : memref<!tpu.dma_semaphore, #tpu.memory_space<semaphore_mem>>) src(%arg6 : memref<32x1000xf32, #tpu.memory_space<vmem>>) dst(%dma_wait3A_175 : memref<32x1000xf32, #tpu.memory_space<hbm>>)
    %dma_wait3A_176 = arith.constant 7 : i32
    %dma_wait3A_177 = arith.constant 0 : i32
    %dma_wait3A_178 = tpu.memref_slice %arg5[%dma_wait3A_176, %dma_wait3A_177] : memref<16x32xi32, #tpu.memory_space<vmem>> -> memref<1x32xi32, #tpu.memory_space<vmem>>
    %dma_wait3A_179 = tpu.memref_squeeze %dma_wait3A_178 : memref<1x32xi32, #tpu.memory_space<vmem>> -> memref<32xi32, #tpu.memory_space<vmem>>
    %dma_wait3A_180 = arith.constant 0 : i32
    %dma_wait3A_181 = arith.constant 0 : i32
    %dma_wait3A_182 = tpu.memref_slice %arg2[%dma_wait3A_180, %dma_wait3A_181] : memref<50000x1000xf32, #tpu.memory_space<hbm>> -> memref<50000x1000xf32, #tpu.memory_space<hbm>>
    tpu.wait_indirect_dma semaphore(%arg9 : memref<!tpu.dma_semaphore, #tpu.memory_space<semaphore_mem>>) src(%dma_wait3A_182 : memref<50000x1000xf32, #tpu.memory_space<hbm>>) dst(%arg7 : memref<32x1000xf32, #tpu.memory_space<vmem>>)
    %dma_start3A_183 = arith.constant 8 : i32
    %dma_start3A_184 = arith.constant 0 : i32
    %dma_start3A_185 = tpu.memref_slice %arg5[%dma_start3A_183, %dma_start3A_184] : memref<16x32xi32, #tpu.memory_space<vmem>> -> memref<1x32xi32, #tpu.memory_space<vmem>>
    %dma_start3A_186 = tpu.memref_squeeze %dma_start3A_185 : memref<1x32xi32, #tpu.memory_space<vmem>> -> memref<32xi32, #tpu.memory_space<vmem>>
    %dma_start3A_187 = arith.constant 0 : i32
    %dma_start3A_188 = arith.constant 0 : i32
    %dma_start3A_189 = tpu.memref_slice %arg2[%dma_start3A_187, %dma_start3A_188] : memref<50000x1000xf32, #tpu.memory_space<hbm>> -> memref<50000x1000xf32, #tpu.memory_space<hbm>>
    tpu.enqueue_indirect_dma source(%dma_start3A_189 : memref<50000x1000xf32, #tpu.memory_space<hbm>>) target(%arg6 : memref<32x1000xf32, #tpu.memory_space<vmem>>) offsets(%dma_start3A_186 : memref<32xi32, #tpu.memory_space<vmem>>) semaphore(%arg8 : memref<!tpu.dma_semaphore, #tpu.memory_space<semaphore_mem>>)
    %add3A_190 = arith.constant 224 : i32
    %add3A_191 = arith.addi %mul3A_2, %add3A_190 : i32
    %dma_start3A_192 = arith.constant 0 : i32
    %dma_start3A_193 = tpu.memref_slice %arg4[%add3A_191, %dma_start3A_192] : memref<16384x1000xf32, #tpu.memory_space<hbm>> -> memref<32x1000xf32, #tpu.memory_space<hbm>>
    %dma_start3A_194 = arith.constant 0 : i32
    %dma_start3A_195 = tpu.memref_slice %arg4[%add3A_191, %dma_start3A_194] : memref<16384x1000xf32, #tpu.memory_space<hbm>> -> memref<32x1000xf32, #tpu.memory_space<hbm>>
    tpu.enqueue_dma source(%arg7 : memref<32x1000xf32, #tpu.memory_space<vmem>>) target(%dma_start3A_195 : memref<32x1000xf32, #tpu.memory_space<hbm>>) target_semaphore(%arg10 : memref<!tpu.dma_semaphore, #tpu.memory_space<semaphore_mem>>)
    %dma_wait3A_196 = arith.constant 0 : i32
    %dma_wait3A_197 = tpu.memref_slice %arg4[%add3A_191, %dma_wait3A_196] : memref<16384x1000xf32, #tpu.memory_space<hbm>> -> memref<32x1000xf32, #tpu.memory_space<hbm>>
    %dma_wait3A_198 = arith.constant 0 : i32
    %dma_wait3A_199 = tpu.memref_slice %arg4[%add3A_191, %dma_wait3A_198] : memref<16384x1000xf32, #tpu.memory_space<hbm>> -> memref<32x1000xf32, #tpu.memory_space<hbm>>
    tpu.wait_dma2 semaphore(%arg10 : memref<!tpu.dma_semaphore, #tpu.memory_space<semaphore_mem>>) src(%arg7 : memref<32x1000xf32, #tpu.memory_space<vmem>>) dst(%dma_wait3A_199 : memref<32x1000xf32, #tpu.memory_space<hbm>>)
    %dma_wait3A_200 = arith.constant 8 : i32
    %dma_wait3A_201 = arith.constant 0 : i32
    %dma_wait3A_202 = tpu.memref_slice %arg5[%dma_wait3A_200, %dma_wait3A_201] : memref<16x32xi32, #tpu.memory_space<vmem>> -> memref<1x32xi32, #tpu.memory_space<vmem>>
    %dma_wait3A_203 = tpu.memref_squeeze %dma_wait3A_202 : memref<1x32xi32, #tpu.memory_space<vmem>> -> memref<32xi32, #tpu.memory_space<vmem>>
    %dma_wait3A_204 = arith.constant 0 : i32
    %dma_wait3A_205 = arith.constant 0 : i32
    %dma_wait3A_206 = tpu.memref_slice %arg2[%dma_wait3A_204, %dma_wait3A_205] : memref<50000x1000xf32, #tpu.memory_space<hbm>> -> memref<50000x1000xf32, #tpu.memory_space<hbm>>
    tpu.wait_indirect_dma semaphore(%arg8 : memref<!tpu.dma_semaphore, #tpu.memory_space<semaphore_mem>>) src(%dma_wait3A_206 : memref<50000x1000xf32, #tpu.memory_space<hbm>>) dst(%arg6 : memref<32x1000xf32, #tpu.memory_space<vmem>>)
    %dma_start3A_207 = arith.constant 9 : i32
    %dma_start3A_208 = arith.constant 0 : i32
    %dma_start3A_209 = tpu.memref_slice %arg5[%dma_start3A_207, %dma_start3A_208] : memref<16x32xi32, #tpu.memory_space<vmem>> -> memref<1x32xi32, #tpu.memory_space<vmem>>
    %dma_start3A_210 = tpu.memref_squeeze %dma_start3A_209 : memref<1x32xi32, #tpu.memory_space<vmem>> -> memref<32xi32, #tpu.memory_space<vmem>>
    %dma_start3A_211 = arith.constant 0 : i32
    %dma_start3A_212 = arith.constant 0 : i32
    %dma_start3A_213 = tpu.memref_slice %arg2[%dma_start3A_211, %dma_start3A_212] : memref<50000x1000xf32, #tpu.memory_space<hbm>> -> memref<50000x1000xf32, #tpu.memory_space<hbm>>
    tpu.enqueue_indirect_dma source(%dma_start3A_213 : memref<50000x1000xf32, #tpu.memory_space<hbm>>) target(%arg7 : memref<32x1000xf32, #tpu.memory_space<vmem>>) offsets(%dma_start3A_210 : memref<32xi32, #tpu.memory_space<vmem>>) semaphore(%arg9 : memref<!tpu.dma_semaphore, #tpu.memory_space<semaphore_mem>>)
    %add3A_214 = arith.constant 256 : i32
    %add3A_215 = arith.addi %mul3A_2, %add3A_214 : i32
    %dma_start3A_216 = arith.constant 0 : i32
    %dma_start3A_217 = tpu.memref_slice %arg4[%add3A_215, %dma_start3A_216] : memref<16384x1000xf32, #tpu.memory_space<hbm>> -> memref<32x1000xf32, #tpu.memory_space<hbm>>
    %dma_start3A_218 = arith.constant 0 : i32
    %dma_start3A_219 = tpu.memref_slice %arg4[%add3A_215, %dma_start3A_218] : memref<16384x1000xf32, #tpu.memory_space<hbm>> -> memref<32x1000xf32, #tpu.memory_space<hbm>>
    tpu.enqueue_dma source(%arg6 : memref<32x1000xf32, #tpu.memory_space<vmem>>) target(%dma_start3A_219 : memref<32x1000xf32, #tpu.memory_space<hbm>>) target_semaphore(%arg10 : memref<!tpu.dma_semaphore, #tpu.memory_space<semaphore_mem>>)
    %dma_wait3A_220 = arith.constant 0 : i32
    %dma_wait3A_221 = tpu.memref_slice %arg4[%add3A_215, %dma_wait3A_220] : memref<16384x1000xf32, #tpu.memory_space<hbm>> -> memref<32x1000xf32, #tpu.memory_space<hbm>>
    %dma_wait3A_222 = arith.constant 0 : i32
    %dma_wait3A_223 = tpu.memref_slice %arg4[%add3A_215, %dma_wait3A_222] : memref<16384x1000xf32, #tpu.memory_space<hbm>> -> memref<32x1000xf32, #tpu.memory_space<hbm>>
    tpu.wait_dma2 semaphore(%arg10 : memref<!tpu.dma_semaphore, #tpu.memory_space<semaphore_mem>>) src(%arg6 : memref<32x1000xf32, #tpu.memory_space<vmem>>) dst(%dma_wait3A_223 : memref<32x1000xf32, #tpu.memory_space<hbm>>)
    %dma_wait3A_224 = arith.constant 9 : i32
    %dma_wait3A_225 = arith.constant 0 : i32
    %dma_wait3A_226 = tpu.memref_slice %arg5[%dma_wait3A_224, %dma_wait3A_225] : memref<16x32xi32, #tpu.memory_space<vmem>> -> memref<1x32xi32, #tpu.memory_space<vmem>>
    %dma_wait3A_227 = tpu.memref_squeeze %dma_wait3A_226 : memref<1x32xi32, #tpu.memory_space<vmem>> -> memref<32xi32, #tpu.memory_space<vmem>>
    %dma_wait3A_228 = arith.constant 0 : i32
    %dma_wait3A_229 = arith.constant 0 : i32
    %dma_wait3A_230 = tpu.memref_slice %arg2[%dma_wait3A_228, %dma_wait3A_229] : memref<50000x1000xf32, #tpu.memory_space<hbm>> -> memref<50000x1000xf32, #tpu.memory_space<hbm>>
    tpu.wait_indirect_dma semaphore(%arg9 : memref<!tpu.dma_semaphore, #tpu.memory_space<semaphore_mem>>) src(%dma_wait3A_230 : memref<50000x1000xf32, #tpu.memory_space<hbm>>) dst(%arg7 : memref<32x1000xf32, #tpu.memory_space<vmem>>)
    %dma_start3A_231 = arith.constant 10 : i32
    %dma_start3A_232 = arith.constant 0 : i32
    %dma_start3A_233 = tpu.memref_slice %arg5[%dma_start3A_231, %dma_start3A_232] : memref<16x32xi32, #tpu.memory_space<vmem>> -> memref<1x32xi32, #tpu.memory_space<vmem>>
    %dma_start3A_234 = tpu.memref_squeeze %dma_start3A_233 : memref<1x32xi32, #tpu.memory_space<vmem>> -> memref<32xi32, #tpu.memory_space<vmem>>
    %dma_start3A_235 = arith.constant 0 : i32
    %dma_start3A_236 = arith.constant 0 : i32
    %dma_start3A_237 = tpu.memref_slice %arg2[%dma_start3A_235, %dma_start3A_236] : memref<50000x1000xf32, #tpu.memory_space<hbm>> -> memref<50000x1000xf32, #tpu.memory_space<hbm>>
    tpu.enqueue_indirect_dma source(%dma_start3A_237 : memref<50000x1000xf32, #tpu.memory_space<hbm>>) target(%arg6 : memref<32x1000xf32, #tpu.memory_space<vmem>>) offsets(%dma_start3A_234 : memref<32xi32, #tpu.memory_space<vmem>>) semaphore(%arg8 : memref<!tpu.dma_semaphore, #tpu.memory_space<semaphore_mem>>)
    %add3A_238 = arith.constant 288 : i32
    %add3A_239 = arith.addi %mul3A_2, %add3A_238 : i32
    %dma_start3A_240 = arith.constant 0 : i32
    %dma_start3A_241 = tpu.memref_slice %arg4[%add3A_239, %dma_start3A_240] : memref<16384x1000xf32, #tpu.memory_space<hbm>> -> memref<32x1000xf32, #tpu.memory_space<hbm>>
    %dma_start3A_242 = arith.constant 0 : i32
    %dma_start3A_243 = tpu.memref_slice %arg4[%add3A_239, %dma_start3A_242] : memref<16384x1000xf32, #tpu.memory_space<hbm>> -> memref<32x1000xf32, #tpu.memory_space<hbm>>
    tpu.enqueue_dma source(%arg7 : memref<32x1000xf32, #tpu.memory_space<vmem>>) target(%dma_start3A_243 : memref<32x1000xf32, #tpu.memory_space<hbm>>) target_semaphore(%arg10 : memref<!tpu.dma_semaphore, #tpu.memory_space<semaphore_mem>>)
    %dma_wait3A_244 = arith.constant 0 : i32
    %dma_wait3A_245 = tpu.memref_slice %arg4[%add3A_239, %dma_wait3A_244] : memref<16384x1000xf32, #tpu.memory_space<hbm>> -> memref<32x1000xf32, #tpu.memory_space<hbm>>
    %dma_wait3A_246 = arith.constant 0 : i32
    %dma_wait3A_247 = tpu.memref_slice %arg4[%add3A_239, %dma_wait3A_246] : memref<16384x1000xf32, #tpu.memory_space<hbm>> -> memref<32x1000xf32, #tpu.memory_space<hbm>>
    tpu.wait_dma2 semaphore(%arg10 : memref<!tpu.dma_semaphore, #tpu.memory_space<semaphore_mem>>) src(%arg7 : memref<32x1000xf32, #tpu.memory_space<vmem>>) dst(%dma_wait3A_247 : memref<32x1000xf32, #tpu.memory_space<hbm>>)
    %dma_wait3A_248 = arith.constant 10 : i32
    %dma_wait3A_249 = arith.constant 0 : i32
    %dma_wait3A_250 = tpu.memref_slice %arg5[%dma_wait3A_248, %dma_wait3A_249] : memref<16x32xi32, #tpu.memory_space<vmem>> -> memref<1x32xi32, #tpu.memory_space<vmem>>
    %dma_wait3A_251 = tpu.memref_squeeze %dma_wait3A_250 : memref<1x32xi32, #tpu.memory_space<vmem>> -> memref<32xi32, #tpu.memory_space<vmem>>
    %dma_wait3A_252 = arith.constant 0 : i32
    %dma_wait3A_253 = arith.constant 0 : i32
    %dma_wait3A_254 = tpu.memref_slice %arg2[%dma_wait3A_252, %dma_wait3A_253] : memref<50000x1000xf32, #tpu.memory_space<hbm>> -> memref<50000x1000xf32, #tpu.memory_space<hbm>>
    tpu.wait_indirect_dma semaphore(%arg8 : memref<!tpu.dma_semaphore, #tpu.memory_space<semaphore_mem>>) src(%dma_wait3A_254 : memref<50000x1000xf32, #tpu.memory_space<hbm>>) dst(%arg6 : memref<32x1000xf32, #tpu.memory_space<vmem>>)
    %dma_start3A_255 = arith.constant 11 : i32
    %dma_start3A_256 = arith.constant 0 : i32
    %dma_start3A_257 = tpu.memref_slice %arg5[%dma_start3A_255, %dma_start3A_256] : memref<16x32xi32, #tpu.memory_space<vmem>> -> memref<1x32xi32, #tpu.memory_space<vmem>>
    %dma_start3A_258 = tpu.memref_squeeze %dma_start3A_257 : memref<1x32xi32, #tpu.memory_space<vmem>> -> memref<32xi32, #tpu.memory_space<vmem>>
    %dma_start3A_259 = arith.constant 0 : i32
    %dma_start3A_260 = arith.constant 0 : i32
    %dma_start3A_261 = tpu.memref_slice %arg2[%dma_start3A_259, %dma_start3A_260] : memref<50000x1000xf32, #tpu.memory_space<hbm>> -> memref<50000x1000xf32, #tpu.memory_space<hbm>>
    tpu.enqueue_indirect_dma source(%dma_start3A_261 : memref<50000x1000xf32, #tpu.memory_space<hbm>>) target(%arg7 : memref<32x1000xf32, #tpu.memory_space<vmem>>) offsets(%dma_start3A_258 : memref<32xi32, #tpu.memory_space<vmem>>) semaphore(%arg9 : memref<!tpu.dma_semaphore, #tpu.memory_space<semaphore_mem>>)
    %add3A_262 = arith.constant 320 : i32
    %add3A_263 = arith.addi %mul3A_2, %add3A_262 : i32
    %dma_start3A_264 = arith.constant 0 : i32
    %dma_start3A_265 = tpu.memref_slice %arg4[%add3A_263, %dma_start3A_264] : memref<16384x1000xf32, #tpu.memory_space<hbm>> -> memref<32x1000xf32, #tpu.memory_space<hbm>>
    %dma_start3A_266 = arith.constant 0 : i32
    %dma_start3A_267 = tpu.memref_slice %arg4[%add3A_263, %dma_start3A_266] : memref<16384x1000xf32, #tpu.memory_space<hbm>> -> memref<32x1000xf32, #tpu.memory_space<hbm>>
    tpu.enqueue_dma source(%arg6 : memref<32x1000xf32, #tpu.memory_space<vmem>>) target(%dma_start3A_267 : memref<32x1000xf32, #tpu.memory_space<hbm>>) target_semaphore(%arg10 : memref<!tpu.dma_semaphore, #tpu.memory_space<semaphore_mem>>)
    %dma_wait3A_268 = arith.constant 0 : i32
    %dma_wait3A_269 = tpu.memref_slice %arg4[%add3A_263, %dma_wait3A_268] : memref<16384x1000xf32, #tpu.memory_space<hbm>> -> memref<32x1000xf32, #tpu.memory_space<hbm>>
    %dma_wait3A_270 = arith.constant 0 : i32
    %dma_wait3A_271 = tpu.memref_slice %arg4[%add3A_263, %dma_wait3A_270] : memref<16384x1000xf32, #tpu.memory_space<hbm>> -> memref<32x1000xf32, #tpu.memory_space<hbm>>
    tpu.wait_dma2 semaphore(%arg10 : memref<!tpu.dma_semaphore, #tpu.memory_space<semaphore_mem>>) src(%arg6 : memref<32x1000xf32, #tpu.memory_space<vmem>>) dst(%dma_wait3A_271 : memref<32x1000xf32, #tpu.memory_space<hbm>>)
    %dma_wait3A_272 = arith.constant 11 : i32
    %dma_wait3A_273 = arith.constant 0 : i32
    %dma_wait3A_274 = tpu.memref_slice %arg5[%dma_wait3A_272, %dma_wait3A_273] : memref<16x32xi32, #tpu.memory_space<vmem>> -> memref<1x32xi32, #tpu.memory_space<vmem>>
    %dma_wait3A_275 = tpu.memref_squeeze %dma_wait3A_274 : memref<1x32xi32, #tpu.memory_space<vmem>> -> memref<32xi32, #tpu.memory_space<vmem>>
    %dma_wait3A_276 = arith.constant 0 : i32
    %dma_wait3A_277 = arith.constant 0 : i32
    %dma_wait3A_278 = tpu.memref_slice %arg2[%dma_wait3A_276, %dma_wait3A_277] : memref<50000x1000xf32, #tpu.memory_space<hbm>> -> memref<50000x1000xf32, #tpu.memory_space<hbm>>
    tpu.wait_indirect_dma semaphore(%arg9 : memref<!tpu.dma_semaphore, #tpu.memory_space<semaphore_mem>>) src(%dma_wait3A_278 : memref<50000x1000xf32, #tpu.memory_space<hbm>>) dst(%arg7 : memref<32x1000xf32, #tpu.memory_space<vmem>>)
    %dma_start3A_279 = arith.constant 12 : i32
    %dma_start3A_280 = arith.constant 0 : i32
    %dma_start3A_281 = tpu.memref_slice %arg5[%dma_start3A_279, %dma_start3A_280] : memref<16x32xi32, #tpu.memory_space<vmem>> -> memref<1x32xi32, #tpu.memory_space<vmem>>
    %dma_start3A_282 = tpu.memref_squeeze %dma_start3A_281 : memref<1x32xi32, #tpu.memory_space<vmem>> -> memref<32xi32, #tpu.memory_space<vmem>>
    %dma_start3A_283 = arith.constant 0 : i32
    %dma_start3A_284 = arith.constant 0 : i32
    %dma_start3A_285 = tpu.memref_slice %arg2[%dma_start3A_283, %dma_start3A_284] : memref<50000x1000xf32, #tpu.memory_space<hbm>> -> memref<50000x1000xf32, #tpu.memory_space<hbm>>
    tpu.enqueue_indirect_dma source(%dma_start3A_285 : memref<50000x1000xf32, #tpu.memory_space<hbm>>) target(%arg6 : memref<32x1000xf32, #tpu.memory_space<vmem>>) offsets(%dma_start3A_282 : memref<32xi32, #tpu.memory_space<vmem>>) semaphore(%arg8 : memref<!tpu.dma_semaphore, #tpu.memory_space<semaphore_mem>>)
    %add3A_286 = arith.constant 352 : i32
    %add3A_287 = arith.addi %mul3A_2, %add3A_286 : i32
    %dma_start3A_288 = arith.constant 0 : i32
    %dma_start3A_289 = tpu.memref_slice %arg4[%add3A_287, %dma_start3A_288] : memref<16384x1000xf32, #tpu.memory_space<hbm>> -> memref<32x1000xf32, #tpu.memory_space<hbm>>
    %dma_start3A_290 = arith.constant 0 : i32
    %dma_start3A_291 = tpu.memref_slice %arg4[%add3A_287, %dma_start3A_290] : memref<16384x1000xf32, #tpu.memory_space<hbm>> -> memref<32x1000xf32, #tpu.memory_space<hbm>>
    tpu.enqueue_dma source(%arg7 : memref<32x1000xf32, #tpu.memory_space<vmem>>) target(%dma_start3A_291 : memref<32x1000xf32, #tpu.memory_space<hbm>>) target_semaphore(%arg10 : memref<!tpu.dma_semaphore, #tpu.memory_space<semaphore_mem>>)
    %dma_wait3A_292 = arith.constant 0 : i32
    %dma_wait3A_293 = tpu.memref_slice %arg4[%add3A_287, %dma_wait3A_292] : memref<16384x1000xf32, #tpu.memory_space<hbm>> -> memref<32x1000xf32, #tpu.memory_space<hbm>>
    %dma_wait3A_294 = arith.constant 0 : i32
    %dma_wait3A_295 = tpu.memref_slice %arg4[%add3A_287, %dma_wait3A_294] : memref<16384x1000xf32, #tpu.memory_space<hbm>> -> memref<32x1000xf32, #tpu.memory_space<hbm>>
    tpu.wait_dma2 semaphore(%arg10 : memref<!tpu.dma_semaphore, #tpu.memory_space<semaphore_mem>>) src(%arg7 : memref<32x1000xf32, #tpu.memory_space<vmem>>) dst(%dma_wait3A_295 : memref<32x1000xf32, #tpu.memory_space<hbm>>)
    %dma_wait3A_296 = arith.constant 12 : i32
    %dma_wait3A_297 = arith.constant 0 : i32
    %dma_wait3A_298 = tpu.memref_slice %arg5[%dma_wait3A_296, %dma_wait3A_297] : memref<16x32xi32, #tpu.memory_space<vmem>> -> memref<1x32xi32, #tpu.memory_space<vmem>>
    %dma_wait3A_299 = tpu.memref_squeeze %dma_wait3A_298 : memref<1x32xi32, #tpu.memory_space<vmem>> -> memref<32xi32, #tpu.memory_space<vmem>>
    %dma_wait3A_300 = arith.constant 0 : i32
    %dma_wait3A_301 = arith.constant 0 : i32
    %dma_wait3A_302 = tpu.memref_slice %arg2[%dma_wait3A_300, %dma_wait3A_301] : memref<50000x1000xf32, #tpu.memory_space<hbm>> -> memref<50000x1000xf32, #tpu.memory_space<hbm>>
    tpu.wait_indirect_dma semaphore(%arg8 : memref<!tpu.dma_semaphore, #tpu.memory_space<semaphore_mem>>) src(%dma_wait3A_302 : memref<50000x1000xf32, #tpu.memory_space<hbm>>) dst(%arg6 : memref<32x1000xf32, #tpu.memory_space<vmem>>)
    %dma_start3A_303 = arith.constant 13 : i32
    %dma_start3A_304 = arith.constant 0 : i32
    %dma_start3A_305 = tpu.memref_slice %arg5[%dma_start3A_303, %dma_start3A_304] : memref<16x32xi32, #tpu.memory_space<vmem>> -> memref<1x32xi32, #tpu.memory_space<vmem>>
    %dma_start3A_306 = tpu.memref_squeeze %dma_start3A_305 : memref<1x32xi32, #tpu.memory_space<vmem>> -> memref<32xi32, #tpu.memory_space<vmem>>
    %dma_start3A_307 = arith.constant 0 : i32
    %dma_start3A_308 = arith.constant 0 : i32
    %dma_start3A_309 = tpu.memref_slice %arg2[%dma_start3A_307, %dma_start3A_308] : memref<50000x1000xf32, #tpu.memory_space<hbm>> -> memref<50000x1000xf32, #tpu.memory_space<hbm>>
    tpu.enqueue_indirect_dma source(%dma_start3A_309 : memref<50000x1000xf32, #tpu.memory_space<hbm>>) target(%arg7 : memref<32x1000xf32, #tpu.memory_space<vmem>>) offsets(%dma_start3A_306 : memref<32xi32, #tpu.memory_space<vmem>>) semaphore(%arg9 : memref<!tpu.dma_semaphore, #tpu.memory_space<semaphore_mem>>)
    %add3A_310 = arith.constant 384 : i32
    %add3A_311 = arith.addi %mul3A_2, %add3A_310 : i32
    %dma_start3A_312 = arith.constant 0 : i32
    %dma_start3A_313 = tpu.memref_slice %arg4[%add3A_311, %dma_start3A_312] : memref<16384x1000xf32, #tpu.memory_space<hbm>> -> memref<32x1000xf32, #tpu.memory_space<hbm>>
    %dma_start3A_314 = arith.constant 0 : i32
    %dma_start3A_315 = tpu.memref_slice %arg4[%add3A_311, %dma_start3A_314] : memref<16384x1000xf32, #tpu.memory_space<hbm>> -> memref<32x1000xf32, #tpu.memory_space<hbm>>
    tpu.enqueue_dma source(%arg6 : memref<32x1000xf32, #tpu.memory_space<vmem>>) target(%dma_start3A_315 : memref<32x1000xf32, #tpu.memory_space<hbm>>) target_semaphore(%arg10 : memref<!tpu.dma_semaphore, #tpu.memory_space<semaphore_mem>>)
    %dma_wait3A_316 = arith.constant 0 : i32
    %dma_wait3A_317 = tpu.memref_slice %arg4[%add3A_311, %dma_wait3A_316] : memref<16384x1000xf32, #tpu.memory_space<hbm>> -> memref<32x1000xf32, #tpu.memory_space<hbm>>
    %dma_wait3A_318 = arith.constant 0 : i32
    %dma_wait3A_319 = tpu.memref_slice %arg4[%add3A_311, %dma_wait3A_318] : memref<16384x1000xf32, #tpu.memory_space<hbm>> -> memref<32x1000xf32, #tpu.memory_space<hbm>>
    tpu.wait_dma2 semaphore(%arg10 : memref<!tpu.dma_semaphore, #tpu.memory_space<semaphore_mem>>) src(%arg6 : memref<32x1000xf32, #tpu.memory_space<vmem>>) dst(%dma_wait3A_319 : memref<32x1000xf32, #tpu.memory_space<hbm>>)
    %dma_wait3A_320 = arith.constant 13 : i32
    %dma_wait3A_321 = arith.constant 0 : i32
    %dma_wait3A_322 = tpu.memref_slice %arg5[%dma_wait3A_320, %dma_wait3A_321] : memref<16x32xi32, #tpu.memory_space<vmem>> -> memref<1x32xi32, #tpu.memory_space<vmem>>
    %dma_wait3A_323 = tpu.memref_squeeze %dma_wait3A_322 : memref<1x32xi32, #tpu.memory_space<vmem>> -> memref<32xi32, #tpu.memory_space<vmem>>
    %dma_wait3A_324 = arith.constant 0 : i32
    %dma_wait3A_325 = arith.constant 0 : i32
    %dma_wait3A_326 = tpu.memref_slice %arg2[%dma_wait3A_324, %dma_wait3A_325] : memref<50000x1000xf32, #tpu.memory_space<hbm>> -> memref<50000x1000xf32, #tpu.memory_space<hbm>>
    tpu.wait_indirect_dma semaphore(%arg9 : memref<!tpu.dma_semaphore, #tpu.memory_space<semaphore_mem>>) src(%dma_wait3A_326 : memref<50000x1000xf32, #tpu.memory_space<hbm>>) dst(%arg7 : memref<32x1000xf32, #tpu.memory_space<vmem>>)
    %dma_start3A_327 = arith.constant 14 : i32
    %dma_start3A_328 = arith.constant 0 : i32
    %dma_start3A_329 = tpu.memref_slice %arg5[%dma_start3A_327, %dma_start3A_328] : memref<16x32xi32, #tpu.memory_space<vmem>> -> memref<1x32xi32, #tpu.memory_space<vmem>>
    %dma_start3A_330 = tpu.memref_squeeze %dma_start3A_329 : memref<1x32xi32, #tpu.memory_space<vmem>> -> memref<32xi32, #tpu.memory_space<vmem>>
    %dma_start3A_331 = arith.constant 0 : i32
    %dma_start3A_332 = arith.constant 0 : i32
    %dma_start3A_333 = tpu.memref_slice %arg2[%dma_start3A_331, %dma_start3A_332] : memref<50000x1000xf32, #tpu.memory_space<hbm>> -> memref<50000x1000xf32, #tpu.memory_space<hbm>>
    tpu.enqueue_indirect_dma source(%dma_start3A_333 : memref<50000x1000xf32, #tpu.memory_space<hbm>>) target(%arg6 : memref<32x1000xf32, #tpu.memory_space<vmem>>) offsets(%dma_start3A_330 : memref<32xi32, #tpu.memory_space<vmem>>) semaphore(%arg8 : memref<!tpu.dma_semaphore, #tpu.memory_space<semaphore_mem>>)
    %add3A_334 = arith.constant 416 : i32
    %add3A_335 = arith.addi %mul3A_2, %add3A_334 : i32
    %dma_start3A_336 = arith.constant 0 : i32
    %dma_start3A_337 = tpu.memref_slice %arg4[%add3A_335, %dma_start3A_336] : memref<16384x1000xf32, #tpu.memory_space<hbm>> -> memref<32x1000xf32, #tpu.memory_space<hbm>>
    %dma_start3A_338 = arith.constant 0 : i32
    %dma_start3A_339 = tpu.memref_slice %arg4[%add3A_335, %dma_start3A_338] : memref<16384x1000xf32, #tpu.memory_space<hbm>> -> memref<32x1000xf32, #tpu.memory_space<hbm>>
    tpu.enqueue_dma source(%arg7 : memref<32x1000xf32, #tpu.memory_space<vmem>>) target(%dma_start3A_339 : memref<32x1000xf32, #tpu.memory_space<hbm>>) target_semaphore(%arg10 : memref<!tpu.dma_semaphore, #tpu.memory_space<semaphore_mem>>)
    %dma_wait3A_340 = arith.constant 0 : i32
    %dma_wait3A_341 = tpu.memref_slice %arg4[%add3A_335, %dma_wait3A_340] : memref<16384x1000xf32, #tpu.memory_space<hbm>> -> memref<32x1000xf32, #tpu.memory_space<hbm>>
    %dma_wait3A_342 = arith.constant 0 : i32
    %dma_wait3A_343 = tpu.memref_slice %arg4[%add3A_335, %dma_wait3A_342] : memref<16384x1000xf32, #tpu.memory_space<hbm>> -> memref<32x1000xf32, #tpu.memory_space<hbm>>
    tpu.wait_dma2 semaphore(%arg10 : memref<!tpu.dma_semaphore, #tpu.memory_space<semaphore_mem>>) src(%arg7 : memref<32x1000xf32, #tpu.memory_space<vmem>>) dst(%dma_wait3A_343 : memref<32x1000xf32, #tpu.memory_space<hbm>>)
    %dma_wait3A_344 = arith.constant 14 : i32
    %dma_wait3A_345 = arith.constant 0 : i32
    %dma_wait3A_346 = tpu.memref_slice %arg5[%dma_wait3A_344, %dma_wait3A_345] : memref<16x32xi32, #tpu.memory_space<vmem>> -> memref<1x32xi32, #tpu.memory_space<vmem>>
    %dma_wait3A_347 = tpu.memref_squeeze %dma_wait3A_346 : memref<1x32xi32, #tpu.memory_space<vmem>> -> memref<32xi32, #tpu.memory_space<vmem>>
    %dma_wait3A_348 = arith.constant 0 : i32
    %dma_wait3A_349 = arith.constant 0 : i32
    %dma_wait3A_350 = tpu.memref_slice %arg2[%dma_wait3A_348, %dma_wait3A_349] : memref<50000x1000xf32, #tpu.memory_space<hbm>> -> memref<50000x1000xf32, #tpu.memory_space<hbm>>
    tpu.wait_indirect_dma semaphore(%arg8 : memref<!tpu.dma_semaphore, #tpu.memory_space<semaphore_mem>>) src(%dma_wait3A_350 : memref<50000x1000xf32, #tpu.memory_space<hbm>>) dst(%arg6 : memref<32x1000xf32, #tpu.memory_space<vmem>>)
    %dma_start3A_351 = arith.constant 15 : i32
    %dma_start3A_352 = arith.constant 0 : i32
    %dma_start3A_353 = tpu.memref_slice %arg5[%dma_start3A_351, %dma_start3A_352] : memref<16x32xi32, #tpu.memory_space<vmem>> -> memref<1x32xi32, #tpu.memory_space<vmem>>
    %dma_start3A_354 = tpu.memref_squeeze %dma_start3A_353 : memref<1x32xi32, #tpu.memory_space<vmem>> -> memref<32xi32, #tpu.memory_space<vmem>>
    %dma_start3A_355 = arith.constant 0 : i32
    %dma_start3A_356 = arith.constant 0 : i32
    %dma_start3A_357 = tpu.memref_slice %arg2[%dma_start3A_355, %dma_start3A_356] : memref<50000x1000xf32, #tpu.memory_space<hbm>> -> memref<50000x1000xf32, #tpu.memory_space<hbm>>
    tpu.enqueue_indirect_dma source(%dma_start3A_357 : memref<50000x1000xf32, #tpu.memory_space<hbm>>) target(%arg7 : memref<32x1000xf32, #tpu.memory_space<vmem>>) offsets(%dma_start3A_354 : memref<32xi32, #tpu.memory_space<vmem>>) semaphore(%arg9 : memref<!tpu.dma_semaphore, #tpu.memory_space<semaphore_mem>>)
    %add3A_358 = arith.constant 448 : i32
    %add3A_359 = arith.addi %mul3A_2, %add3A_358 : i32
    %dma_start3A_360 = arith.constant 0 : i32
    %dma_start3A_361 = tpu.memref_slice %arg4[%add3A_359, %dma_start3A_360] : memref<16384x1000xf32, #tpu.memory_space<hbm>> -> memref<32x1000xf32, #tpu.memory_space<hbm>>
    %dma_start3A_362 = arith.constant 0 : i32
    %dma_start3A_363 = tpu.memref_slice %arg4[%add3A_359, %dma_start3A_362] : memref<16384x1000xf32, #tpu.memory_space<hbm>> -> memref<32x1000xf32, #tpu.memory_space<hbm>>
    tpu.enqueue_dma source(%arg6 : memref<32x1000xf32, #tpu.memory_space<vmem>>) target(%dma_start3A_363 : memref<32x1000xf32, #tpu.memory_space<hbm>>) target_semaphore(%arg10 : memref<!tpu.dma_semaphore, #tpu.memory_space<semaphore_mem>>)
    %dma_wait3A_364 = arith.constant 0 : i32
    %dma_wait3A_365 = tpu.memref_slice %arg4[%add3A_359, %dma_wait3A_364] : memref<16384x1000xf32, #tpu.memory_space<hbm>> -> memref<32x1000xf32, #tpu.memory_space<hbm>>
    %dma_wait3A_366 = arith.constant 0 : i32
    %dma_wait3A_367 = tpu.memref_slice %arg4[%add3A_359, %dma_wait3A_366] : memref<16384x1000xf32, #tpu.memory_space<hbm>> -> memref<32x1000xf32, #tpu.memory_space<hbm>>
    tpu.wait_dma2 semaphore(%arg10 : memref<!tpu.dma_semaphore, #tpu.memory_space<semaphore_mem>>) src(%arg6 : memref<32x1000xf32, #tpu.memory_space<vmem>>) dst(%dma_wait3A_367 : memref<32x1000xf32, #tpu.memory_space<hbm>>)
    %dma_wait3A_368 = arith.constant 15 : i32
    %dma_wait3A_369 = arith.constant 0 : i32
    %dma_wait3A_370 = tpu.memref_slice %arg5[%dma_wait3A_368, %dma_wait3A_369] : memref<16x32xi32, #tpu.memory_space<vmem>> -> memref<1x32xi32, #tpu.memory_space<vmem>>
    %dma_wait3A_371 = tpu.memref_squeeze %dma_wait3A_370 : memref<1x32xi32, #tpu.memory_space<vmem>> -> memref<32xi32, #tpu.memory_space<vmem>>
    %dma_wait3A_372 = arith.constant 0 : i32
    %dma_wait3A_373 = arith.constant 0 : i32
    %dma_wait3A_374 = tpu.memref_slice %arg2[%dma_wait3A_372, %dma_wait3A_373] : memref<50000x1000xf32, #tpu.memory_space<hbm>> -> memref<50000x1000xf32, #tpu.memory_space<hbm>>
    tpu.wait_indirect_dma semaphore(%arg9 : memref<!tpu.dma_semaphore, #tpu.memory_space<semaphore_mem>>) src(%dma_wait3A_374 : memref<50000x1000xf32, #tpu.memory_space<hbm>>) dst(%arg7 : memref<32x1000xf32, #tpu.memory_space<vmem>>)
    %add3A_375 = arith.constant 480 : i32
    %add3A_376 = arith.addi %mul3A_2, %add3A_375 : i32
    %dma_start3A_377 = arith.constant 0 : i32
    %dma_start3A_378 = tpu.memref_slice %arg4[%add3A_376, %dma_start3A_377] : memref<16384x1000xf32, #tpu.memory_space<hbm>> -> memref<32x1000xf32, #tpu.memory_space<hbm>>
    %dma_start3A_379 = arith.constant 0 : i32
    %dma_start3A_380 = tpu.memref_slice %arg4[%add3A_376, %dma_start3A_379] : memref<16384x1000xf32, #tpu.memory_space<hbm>> -> memref<32x1000xf32, #tpu.memory_space<hbm>>
    tpu.enqueue_dma source(%arg7 : memref<32x1000xf32, #tpu.memory_space<vmem>>) target(%dma_start3A_380 : memref<32x1000xf32, #tpu.memory_space<hbm>>) target_semaphore(%arg10 : memref<!tpu.dma_semaphore, #tpu.memory_space<semaphore_mem>>)
    %dma_wait3A_381 = arith.constant 0 : i32
    %dma_wait3A_382 = tpu.memref_slice %arg4[%add3A_376, %dma_wait3A_381] : memref<16384x1000xf32, #tpu.memory_space<hbm>> -> memref<32x1000xf32, #tpu.memory_space<hbm>>
    %dma_wait3A_383 = arith.constant 0 : i32
    %dma_wait3A_384 = tpu.memref_slice %arg4[%add3A_376, %dma_wait3A_383] : memref<16384x1000xf32, #tpu.memory_space<hbm>> -> memref<32x1000xf32, #tpu.memory_space<hbm>>
    tpu.wait_dma2 semaphore(%arg10 : memref<!tpu.dma_semaphore, #tpu.memory_space<semaphore_mem>>) src(%arg7 : memref<32x1000xf32, #tpu.memory_space<vmem>>) dst(%dma_wait3A_384 : memref<32x1000xf32, #tpu.memory_space<hbm>>)
    return
  }
}

</mosaic_0001>

<sc_bundles>
// kernel: gather_offload_async_start
scs
__scs_entry_jumppad:
0x0: {  	(pc) =	sbr.rel $0x88, $3  }
0x1: {  	(tag) =	ssettag $0x0;
	lr =	simm.s32 $0x1  }
0x2: {  	[smem:$0x3F9D] =	sst lr;
	_ =	strace $0xD0000000  }
0x3: {  	_ = 	snop  }
0x4: {  	_ = 	snop  }
0x5: {  	_ = 	snop  }
0x6: {  	_ = 	snop  }
0x7: {  	_ = 	snop  }
__scs_overlays_trampoline_lowered:
0x8: {  	[smem:$0x3FAC] =	sst s0  }
0x9: {  	[smem:$0x3FAD] =	sst s1  }
0xa: {  	[smem:$0x3FAE] =	sst s2  }
0xb: {  	[smem:$0x3FAF] =	sst s3  }
0xc: {  	[smem:$0x3FB0] =	sst s4  }
0xd: {  	[smem:$0x3FB1] =	sst s5  }
0xe: {  	[smem:$0x3FB2] =	sst s6  }
0xf: {  	[smem:$0x3FB3] =	sst s7  }
0x10: {  	[smem:$0x3FB4] =	sst s8  }
0x11: {  	[smem:$0x3FB5] =	sst s9;
	s0 =	simm.s32 @!p0 $0x0  }
0x12: {  	s1 =	sld [smem:$0x3F9B];
	s0 =	simm.s32 @p0 $0x1  }
0x13: {  	[smem:$0x3FB6] =	sst s0;
	s0 =	simm.s32 @!p1 $0x0  }
0x14: {  	s2 =	sld [smem:$0x3F9A];
	s0 =	simm.s32 @p1 $0x1  }
0x15: {  	[smem:$0x3FB7] =	sst s0;
	s0 =	simm.s32 @!p2 $0x0  }
0x16: {  	s3 =	sld [smem:$0x3FDB];
	s0 =	simm.s32 @p2 $0x1  }
0x17: {  	s4 =	simm.s32 $0x1BF5;
	[smem:$0x3FB9] =	sst s0  }
0x18: {  	s0 =	sld [smem:$0x3F9C];
	_ =	swait.ge [sflag:s4], $0x0  }
0x19: {  	s7 =	sld [smem:$0x3F9D]  }
0x1a: {  	s8 =	sadd.s32 $0xFFFFE003, lr  }
0x1b: {  	s9 =	sadd.s32 $0xFFFFFEF7, lr;
	s5 =	simm.s32 $0xFFFFFFFF;
	p2 =	slt.u32 s8, $0xFFFFF086  }
0x1c: {  	p1 =	slt.u32 s9, $0xF7A;
	s5 =	simm.s32 @!p2 $0x0  }
0x1d: {  	s5 =	simm.s32 @p1 $0x1;
	p0 =	seq.s32 s7, s2  }
0x1e: {  	s7 =	smul.u32 @!p0 $0xF7A, s2;
	p2 =	seq.s32 @!p0 s5, $0x0  }
0x1f: {  	s9 =	smul.u32 $0xF7A, s1;
	s8 =	simm.s32 @!p0 $0x1BF5;
	p2 =	por !p2, p0  }
0x20: {  	[sflag:s8] =	ssyncset.s32 @!p0 $0xFFFFF086;
	s6 =	sadd.s32 @!p0 s3, s7;
	s7 =	simm.s32 @!p0 $0x108  }
0x21: {  	s3 =	sadd.s32 s3, s9;
	s6 =	sadd.s32 @!p0 $0x88, s6;
	s7 =	simm.s32 @p2 $0x1082  }
0x22: {  	[simem:s7], [sflag:s8] =	dma.local @!p0 [hbm:s6], $0xF7A  }
0x23: {  	s9 =	sor.u32 $0xD0000000, s2;
	s6 =	simm.s32 $0x108;
	_ =	swait.ge @!p0 [sflag:s8], $0x0  }
0x24: {  	s3 =	sadd.s32 $0x88, s3;
	s6 =	simm.s32 @!p1 $0x1082;
	[sflag:s4] =	ssyncset.s32 $0xFFFFF086  }
0x25: {  	[simem:s6], [sflag:s4] =	dma.local [hbm:s3], $0xF7A  }
0x26: {  	[smem:$0x3F9D] =	sst s1;
	(tag) =	ssettag s2;
	_ =	strace s9  }
0x27: {  	s1 =	sld [smem:$0x3FAD]  }
0x28: {  	s2 =	sld [smem:$0x3FAE]  }
0x29: {  	s4 =	sld [smem:$0x3FB0]  }
0x2a: {  	p0 =	seq.s32 s5, $0x0;
	s5 =	sld [smem:$0x3FB1]  }
0x2b: {  	s6 =	sld [smem:$0x3FB2]  }
0x2c: {  	s7 =	sld [smem:$0x3FB3]  }
0x2d: {  	s3 =	simm.s32 $0x108;
	s8 =	sld [smem:$0x3FB4]  }
0x2e: {  	s3 =	simm.s32 @!p0 $0x1082;
	s9 =	sld [smem:$0x3FB5]  }
0x2f: {  	lr =	sadd.s32 s0, s3;
	s0 =	sld [smem:$0x3FAC]  }
0x30: {  	s3 =	sld [smem:$0x3FAF]  }
0x31: {  	[smem:$0x3FB8] =	sst s10  }
0x32: {  	s10 =	sld [smem:$0x3FB6];
	_ =	sdelay $0x3  }
0x33: {  	p0 =	seq.s32 s10, $0x1;
	s10 =	sld [smem:$0x3FB8];
	_ =	sdelay $0x3  }
0x34: {  	[smem:$0x3FB8] =	sst s10  }
0x35: {  	s10 =	sld [smem:$0x3FB7];
	_ =	sdelay $0x3  }
0x36: {  	p1 =	seq.s32 s10, $0x1;
	s10 =	sld [smem:$0x3FB8];
	_ =	sdelay $0x3  }
0x37: {  	[smem:$0x3FB8] =	sst s10  }
0x38: {  	s10 =	sld [smem:$0x3FB9]  }
0x39: {  	_ = 	snop;
	(pc) =	sbr.ind lr, $3  }
0x3a: {  	_ = 	snop  }
0x3b: {  	_ = 	snop  }
0x3c: {  	p2 =	seq.s32 s10, $0x1;
	s10 =	sld [smem:$0x3FB8]  }
0x3d: {  	_ =	shalt  }
0x3e: {  	_ =	shalt  }
0x3f: {  	_ =	shalt  }
0x40: {  	_ =	shalt  }
0x41: {  	_ =	shalt  }
0x42: {  	_ =	shalt  }
0x43: {  	_ =	shalt  }
0x44: {  	_ =	shalt  }
0x45: {  	_ =	shalt  }
0x46: {  	_ =	shalt  }
0x47: {  	_ =	shalt  }
0x48: {  	_ =	shalt  }
0x49: {  	_ =	shalt  }
0x4a: {  	_ =	shalt  }
0x4b: {  	_ =	shalt  }
0x4c: {  	_ =	shalt  }
0x4d: {  	_ =	shalt  }
0x4e: {  	_ =	shalt  }
0x4f: {  	_ =	shalt  }
0x50: {  	_ =	shalt  }
0x51: {  	_ =	shalt  }
0x52: {  	_ =	shalt  }
0x53: {  	_ =	shalt  }
0x54: {  	_ =	shalt  }
0x55: {  	_ =	shalt  }
0x56: {  	_ =	shalt  }
0x57: {  	_ =	shalt  }
0x58: {  	_ =	shalt  }
0x59: {  	_ =	shalt  }
0x5a: {  	_ =	shalt  }
0x5b: {  	_ =	shalt  }
0x5c: {  	_ =	shalt  }
0x5d: {  	_ =	shalt  }
0x5e: {  	_ =	shalt  }
0x5f: {  	_ =	shalt  }
0x60: {  	_ =	shalt  }
0x61: {  	_ =	shalt  }
0x62: {  	_ =	shalt  }
0x63: {  	_ =	shalt  }
0x64: {  	_ =	shalt  }
0x65: {  	_ =	shalt  }
0x66: {  	_ =	shalt  }
0x67: {  	_ =	shalt  }
0x68: {  	_ =	shalt  }
0x69: {  	_ =	shalt  }
0x6a: {  	_ =	shalt  }
0x6b: {  	_ =	shalt  }
0x6c: {  	_ =	shalt  }
0x6d: {  	_ =	shalt  }
0x6e: {  	_ =	shalt  }
0x6f: {  	_ =	shalt  }
0x70: {  	_ =	shalt  }
0x71: {  	_ =	shalt  }
0x72: {  	_ =	shalt  }
0x73: {  	_ =	shalt  }
0x74: {  	_ =	shalt  }
0x75: {  	_ =	shalt  }
0x76: {  	_ =	shalt  }
0x77: {  	_ =	shalt  }
0x78: {  	_ =	shalt  }
0x79: {  	_ =	shalt  }
0x7a: {  	_ =	shalt  }
0x7b: {  	_ =	shalt  }
0x7c: {  	_ =	shalt  }
0x7d: {  	_ =	shalt  }
0x7e: {  	_ =	shalt  }
0x7f: {  	_ =	shalt  }
0x80: {  	_ =	shalt  }
0x81: {  	_ =	shalt  }
0x82: {  	_ =	shalt  }
0x83: {  	_ =	shalt  }
0x84: {  	_ =	shalt  }
0x85: {  	_ =	shalt  }
0x86: {  	_ =	shalt  }
0x87: {  	_ =	shalt  }
.Lfunc_end0:
.L_simem_size_0:
called_computation_lowered:
.L_overlay_start_0:
0x88: {  	s2 =	sld [smem:$0x3FD9]  }
0x89: {  	s3 =	sld [smem:$0x3FFE];
	_ =	sdelay $0x1  }
0x8a: {  	s1 =	srdreg.scid  }
0x8b: {  	s0 =	sand.u32 $0x1, s1  }
0x8c: {  	s17 =	sshll.u32 s0, $0xA;
	s2 =	sadd.s32 s3, s2  }
0x8d: {  	s2 =	sadd.s32 s2, s17  }
0x8e: {  	[smem:$0x3FC4] =	sst s2  }
0x8f: {  	_ = 	snop  }
0x90: {  	s2 =	sld [smem:$0x3FD0];
	(tm) =	ssettm $0x1  }
0x91: {  	s18 =	sld [smem:$0x3FFB];
	_ =	sdelay $0x3  }
0x92: {  	_ =	strace s18  }
0x93: {  	s3 =	sld [smem:$0x3FFC];
	_ =	sdelay $0x3  }
0x94: {  	_ =	strace s3  }
0x95: {  	s3 =	sld [smem:$0x3FFD];
	_ =	sdelay $0x3  }
0x96: {  	_ =	strace s3  }
0x97: {  	_ =	strace $0x8FFFFFFF  }
0x98: {  	s19 =	sld [smem:$0x3FDB];
	_ =	sdelay $0x1  }
0x99: {  	s4 =	simm.s32 $_scs_section_size  }
0x9a: {  	s5 =	simm.s32 $_size__tile_overlayer_lowered;
	s6 =	simm.s32 $_tile_overlayer_lowered  }
0x9b: {  	s22 =	simm.s32 $0x1BFF;
	s21 =	sshll.u32 s6, $0x1;
	s3 =	sadd.s32 s4, s19  }
0x9c: {  	s7 =	simm.s32 $0x0;
	s20 =	sshll.u32 s5, $0x1;
	s5 =	sadd.s32 s21, s3  }
0x9d: {  	[timem:s7], [sflag:s22] =	dma.local [hbm:s5], s20  }
0x9e: {  	_ =	swait.ge [sflag:s22], s20  }
0x9f: {  	s4 =	ssub.s32 $0x0, s20;
	[sflag:s22] =	ssyncset.done $0x0  }
0xa0: {  	[sflag:s22] =	ssyncadd.s32 s4;
	_ =	sdelay $0x1  }
0xa1: {  	s23 =	simm.s32 $0x1B8B  }
0xa2: {  	_ =	swait.ge [sflag:s23], $0x1  }
0xa3: {  	[sflag:s23] =	ssyncset.done $0x0  }
0xa4: {  	s25 =	simm.s32 $0x1B8E;
	s24 =	sld [smem:$0x3FFE];
	[sflag:s23] =	ssyncadd.s32 $0xFFFFFFFF  }
0xa5: {  	s26 =	simm.s32 $execute0_lowered;
	[smem:$0x3FD2] =	sst s25  }
0xa6: {  	s5 =	sshll.u32 s26, $0x1;
	_ =	strace $0x80000049;
	[dreg:$0x1] =	wrdreg $0xFFFFFFFF  }
0xa7: {  	s28 =	simm.s32 $_size_execute0_lowered;
	s3 =	sadd.s32 s3, s5;
	[dreg:$0x0] =	wrdreg $0x0  }
0xa8: {  	s5 =	sshll.u32 s28, $0x1;
	[dreg:$0x2] =	wrdreg s3  }
0xa9: {  	[dreg:$0x3] =	wrdreg s5  }
0xaa: {  	[dreg:$0x4] =	wrdreg $0xC0  }
0xab: {  	_ =	task [dreg:s7], $0x5FFFF  }
0xac: {  	[dreg:$0x1] =	wrdreg $0xFFFFFFFF  }
0xad: {  	[dreg:$0x0] =	wrdreg $0x60  }
0xae: {  	[dreg:$0x2] =	wrdreg s24  }
0xaf: {  	[dreg:$0x3] =	wrdreg s2  }
0xb0: {  	[dreg:$0x4] =	wrdreg $0x9  }
0xb1: {  	_ =	task.clear_ibuf [dreg:s7], $0x5FFFF;
	_ =	strace $0x90000049  }
0xb2: {  	s29 =	simm.s32 $0x9;
	_ =	strace $0x8000004B  }
0xb3: {  	_ =	swait.ge [sflag:s29], $0x1  }
0xb4: {  	[sflag:s29] =	ssyncadd.s32 $0xFFFFFFFF  }
0xb5: {  	_ =	strace $0x9000004B  }
0xb6: {  	_ =	sfence  }
0xb7: {  	s30 =	sld [smem:$0x0];
	_ =	sdelay $0x2  }
0xb8: {  	s31 =	sshll.u32 s1, $0xD;
	s1 =	sshrl.u32 s1, $0x2  }
0xb9: {  	s3 =	sand.u32 $0x4000, s31;
	s1 =	sadd.s32 s1, s30  }
0xba: {  	s0 =	sor.u32 s3, s0;
	s1 =	sshll.u32 s1, $0x11  }
0xbb: {  	s0 =	sor.u32 s1, s0  }
0xbc: {  	s0 =	sadd.s32 $0x8F2B, s0  }
0xbd: {  	[sflag:s0] =	ssyncadd.remote.s32 $0x1  }
0xbe: {  	_ =	sfence.sel $0xFFFF  }
0xbf: {  	[dreg:$0x0] =	wrdreg $0xFFFFFFFF;
	(pc) =	sbr.abs _section_cstart, $3  }
0xc0: {  	[dreg:$0x1] =	wrdreg $0xFFFFFFFF  }
0xc1: {  	_ =	task.clear_ibuf [dreg:s7], $0x2FFFF;
	_ =	strace $0x9FFFFFFF  }
0xc2: {  	(tm) =	ssettm $0x7FFFFFFF  }
0xc3: {  	_ =	shalt  }
tec
execute0_lowered:
.L_overlay_start_1:
0x0: {  	(tag) =	ssettag $0x1  }
0x1: {  	s1 =	srdreg.scid;
	s2 =	rddreg [dreg:$0x0]  }
0x2: {  	s0 =	stileid.u32;
	s3 =	rddreg [dreg:$0x1]  }
0x3: {  	s6 =	simm.s32 $0x1;
	s9 =	simm.s32 $0x1;
	s1 =	sshll.u32 s1, $0x8  }
0x4: {  	s10 =	simm.s32 $0x3;
	s4 =	sshll.u32 s0, $0x9;
	s5 =	sand.u32 $0x100, s1  }
0x5: {  	s13 =	simm.s32 $0x0;
	s12 =	simm.s32 $0x0;
	s4 =	sor.u32 s4, s5  }
0x6: {  	s1 =	rddreg [dreg:$0x2];
	_ =	strace $0x8000004A;
	s8 =	ssub.s32 $0x4000, s4  }
.Ltmp0:
0x7: {  	s5 =	sadd.s32 $0x3F4000, s2;
	s7 =	sand.u32 $0x1F00, s8;
	(pc) =	sbr.rel .LBB2_1-.Ltmp0, $4  }
0x8: {  	[sflag:s6] =	ssyncpa.u1 $0x0;
	s11 =	smov.u32 s4;
	p0 =	sne.s32 s7, $0x0  }
0x9: {  	s8 =	sshrl.u32 s8, $0xD;
	s7 =	simm.s32 $0x2;
	s9 =	simm.s32 @!p0 $0x0  }
0xa: {  	[sflag:s7] =	ssyncpa.u1 $0x0;
	p0 =	por $0x0, $0x0;
	s8 =	sadd.s32 s9, s8  }
0xb: {  	vm0 =	vmmov $0xffff;
	[sflag:s10] =	ssyncpa.u1 $0x0;
	s10 =	simm.s32 $0x0;
	s9 =	sadd.s32 $0x1, s8  }
.LBB2_4:
0xc: {  	vm1 =	veq.s32 v0, $0x80000000;
	v63 =	vand.u32 $0x3FFF, v0;
	v2 =	vand.u32 $0x3FF, v2  }
0xd: {  	v0 =	vsel vm1, $0xFFFFFFFF, v63;
	v2 =	vsel vm1, $0xFFFFFFFF, v2  }
0xe: {  	v3 =	vshll.u32 v0, $0xA;
	v4 =	vshll.u32 v2, $0x3  }
0xf: {  	v0 =	vshll.u32 v0, $0x7;
	v3 =	vand.u32 $0xFFFFE000, v3;
	v4 =	vand.u32 $0xFFFFFC00, v4  }
0x10: {  	v0 =	vand.u32 $0x380, v0;
	v3 =	vadd.s32 v3, v4  }
0x11: {  	v2 =	vand.u32 $0x7F, v2;
	v0 =	vor.u32 v0, v3  }
0x12: {  	v0 =	vor.u32 v2, v0;
	_ =	sdelay $0x1  }
0x13: {  	(ifvalue) =	ssetifvalue $0x7FFFFFFF;
	s14 =	sadd.s32 $0x10, s14  }
0x14: {  	[tilespmem:s14], [sflag:$0x1] =	stream.indirect_vreg.gather [hbm4b:s5+s10], $0x1, v1, vm0, $0x4038;
	[tilespmem:$0x400] =	vst v63  }
0x15: {  	(ifvalue) =	ssetifvalue $0x7FFFFFFF;
	s14 =	sadd.s32 $0x10, s14  }
0x16: {  	[tilespmem:s14], [sflag:$0x1] =	stream.indirect_vreg.gather [hbm4b:s5+s10], $0x1, v0, vm0, $0x4038;
	[tilespmem:$0x400] =	vst v63  }
0x17: {  	_ =	swait.ge [sflag:s6], $0x100  }
0x18: {  	s30 =	sshrl.u32 s13, $0x3;
	[sflag:s6] =	ssyncset.done $0x0  }
0x19: {  	s31 =	sand.u32 $0x7, s13;
	s14 =	sadd.s32 s2, s30;
	[sflag:s6] =	ssyncadd.s32 $0xFFFFFF00  }
0x1a: {  	[hbm4b:s14+s31] =	stream.linear.scatter [tilespmem:s15], [sflag:$0x3], $0x100, $0x38;
	[tilespmem:$0x400] =	vst v63  }
.LBB2_5:
0x1b: {  	s15 =	sadd.s32 $0x2000, s11  }
0x1c: {  	p2 =	sgt.s32 s15, $0x3FFF  }
0x1d: {  	s15 =	smov.u32 @p2 s4;
	p2 =	sne.s32 s12, s9  }
.Ltmp1:
0x1e: {  	p1 =	slt.u32 s12, $0x2;
	(pc) =	sbr.rel @!p2 .LBB2_6-.Ltmp1, $4  }
0x1f: {  	s14 =	simm.s32 @!p1 $0x3  }
0x20: {  	s16 =	sadd.s32 $0x1, s12;
	_ =	swait.ge @!p1 [sflag:s14], $0x100  }
0x21: {  	s13 =	smov.u32 s11;
	p0 =	por !p0, !p0;
	[sflag:s14] =	ssyncset.done @!p1 $0x0  }
0x22: {  	s12 =	smov.u32 s16;
	s11 =	smov.u32 s15;
	[sflag:s14] =	ssyncadd.s32 @!p1 $0xFFFFFF00  }
.LBB2_1:
0x23: {  	p1 =	sge.u32 s12, s8  }
0x24: {  	s14 =	sxor.u32 @!p1 $0xFFFFFFFF, s12  }
0x25: {  	s31 =	sadd.s32 $0xFFFFFFFF, s12;
	s15 =	sshrl.u32 @!p1 s11, $0x3;
	s14 =	sshll.u32 @!p1 s14, $0x8  }
0x26: {  	s16 =	sand.u32 @!p1 $0x7, s11;
	s15 =	sadd.s32 @!p1 s3, s15;
	s14 =	sand.u32 @!p1 $0x100, s14  }
0x27: {  	[tilespmem:s14], [sflag:$0x2] =	stream.linear.gather @!p1 [hbm4b:s15+s16], $0x100, $0x38;
	[tilespmem:$0x400] =	vst v63  }
0x28: {  	p1 =	sge.u32 s31, s8  }
.Ltmp2:
0x29: {  	_ = 	snop;
	(pc) =	sbr.rel @p1 .LBB2_5-.Ltmp2, $1  }
0x2a: {  	_ =	sdelay $0x3  }
0x2b: {  	s14 =	simm.s32 $0x1  }
0x2c: {  	_ =	swait.ge [sflag:s7], $0x100;
	s14 =	simm.s32 @!p0 $0x0  }
0x2d: {  	[sflag:s7] =	ssyncset.done $0x0;
	s14 =	sshll.u32 s14, $0x8  }
0x2e: {  	[sflag:s7] =	ssyncadd.s32 $0xFFFFFF00;
	(ifvalue) =	ssetifvalue $0x7FFFFFFF;
	v0 =	vld.msk [tilespmem:s14+$0x0 ss:$0x1], $0xffff;
	_ =	sdelay $0x3  }
0x2f: {  	s15 =	sadd.s32 $0x10, s14  }
0x30: {  	v2 =	vld.msk [tilespmem:s15+$0x0 ss:$0x1], $0xffff;
	v1 =	vshrl.u32 v0, $0xE  }
0x31: {  	vm1 =	veq.s32 v0, $0x80000000;
	v0 =	vand.u32 $0x3FFF, v0;
	v1 =	vand.u32 $0x3FF, v1  }
0x32: {  	v0 =	vsel vm1, $0xFFFFFFFF, v0;
	v1 =	vsel vm1, $0xFFFFFFFF, v1  }
0x33: {  	v3 =	vshll.u32 v0, $0xA;
	v4 =	vshll.u32 v1, $0x3  }
0x34: {  	v0 =	vshll.u32 v0, $0x7;
	v3 =	vand.u32 $0xFFFFE000, v3;
	v4 =	vand.u32 $0xFFFFFC00, v4  }
0x35: {  	vm1 =	veq.s32 v2, $0x80000000;
	v0 =	vand.u32 $0x380, v0;
	v3 =	vadd.s32 v3, v4  }
0x36: {  	v1 =	vand.u32 $0x7F, v1;
	v0 =	vor.u32 v0, v3;
	v3 =	vshrl.u32 v2, $0xE  }
0x37: {  	s17 =	sadd.s32 $0x10, s15;
	v2 =	vand.u32 $0x3FFF, v2;
	v1 =	vor.u32 v1, v0;
	v3 =	vand.u32 $0x3FF, v3  }
0x38: {  	v0 =	vld.msk [tilespmem:s17+$0x0 ss:$0x1], $0xffff;
	v2 =	vsel vm1, $0xFFFFFFFF, v2;
	v3 =	vsel vm1, $0xFFFFFFFF, v3  }
0x39: {  	v63 =	vshll.u32 v2, $0xA;
	v5 =	vshll.u32 v3, $0x3  }
0x3a: {  	s31 =	sshll.u32 s12, $0x8;
	v2 =	vshll.u32 v2, $0x7;
	v4 =	vand.u32 $0xFFFFE000, v63;
	v5 =	vand.u32 $0xFFFFFC00, v5  }
0x3b: {  	s14 =	sor.u32 $0x200, s14;
	s15 =	sand.u32 $0x100, s31;
	(ifvalue) =	ssetifvalue $0x7FFFFFFF;
	v2 =	vand.u32 $0x380, v2;
	v4 =	vadd.s32 v4, v5  }
0x3c: {  	[tilespmem:s14], [sflag:$0x1] =	stream.indirect_vreg.gather [hbm4b:s5+s10], $0x1, v1, vm0, $0x4038;
	v1 =	vand.u32 $0x7F, v3;
	v3 =	vor.u32 v2, v4;
	[tilespmem:$0x400] =	vst v63  }
0x3d: {  	s16 =	simm.s32 $0x20;
	s15 =	sor.u32 $0x200, s15;
	s17 =	sadd.s32 $0x10, s17;
	v2 =	vshrl.u32 v0, $0xE;
	v1 =	vor.u32 v1, v3  }
.LBB2_3:
0x3e: {  	s16 =	sadd.s32 $0x10, s16;
	vm1 =	veq.s32 v0, $0x80000000;
	v3 =	vand.u32 $0x3FFF, v0;
	v0 =	vld.msk [tilespmem:s17+$0x0 ss:$0x1], $0xffff;
	v2 =	vand.u32 $0x3FF, v2  }
0x3f: {  	p1 =	slt.u32 s16, $0xF0;
	v3 =	vsel vm1, $0xFFFFFFFF, v3;
	v2 =	vsel vm1, $0xFFFFFFFF, v2  }
.Ltmp3:
0x40: {  	v4 =	vshll.u32 v3, $0xA;
	v5 =	vshll.u32 v2, $0x3;
	(pc) =	sbr.rel @p1 .LBB2_3-.Ltmp3, $4  }
0x41: {  	s14 =	sadd.s32 $0x10, s14;
	v3 =	vshll.u32 v3, $0x7;
	v4 =	vand.u32 $0xFFFFE000, v4;
	v5 =	vand.u32 $0xFFFFFC00, v5;
	(ifvalue) =	ssetifvalue $0x7FFFFFFF  }
0x42: {  	v3 =	vand.u32 $0x380, v3;
	v4 =	vadd.s32 v4, v5;
	[tilespmem:s14], [sflag:$0x1] =	stream.indirect_vreg.gather [hbm4b:s5+s10], $0x1, v1, vm0, $0x4038;
	[tilespmem:$0x400] =	vst v63  }
0x43: {  	v1 =	vand.u32 $0x7F, v2;
	v3 =	vor.u32 v3, v4  }
0x44: {  	s17 =	sadd.s32 $0x10, s17;
	v2 =	vshrl.u32 v0, $0xE;
	v1 =	vor.u32 v1, v3  }
.Ltmp4:
0x45: {  	_ = 	snop;
	(pc) =	sbr.rel .LBB2_4-.Ltmp4, $1  }
0x46: {  	_ =	sdelay $0x3  }
.LBB2_6:
0x47: {  	_ =	sfence.sel $0x180000  }
0x48: {  	s2 =	simm.s32 $0x2;
	[bflag:$0x0] =	sbarrier.arrive $0xFFFF  }
0x49: {  	s30 =	simm.s32 $0x3;
	[sflag:s2] =	ssyncpa.u1 $0x1  }
0x4a: {  	s31 =	simm.s32 $0x1;
	[sflag:s30] =	ssyncpa.u1 $0x1  }
0x4b: {  	[sflag:s31] =	ssyncpa.u1 $0x1  }
0x4c: {  	p0 =	sne.s32 s0, $0x0;
	_ =	strace $0x9000004A  }
0x4d: {  	s0 =	sadd.s32 @!p0 $0x100000, s1;
	[bflag:$0x2] =	sbarrier.arrive $0xFFFF  }
0x4e: {  	[sflag:s0] =	ssyncadd.tile.s32 @!p0 $0x1;
	_ =	shalt  }
.Lfunc_end2:
_tile_overlayer_lowered:
.L_overlay_start_2:
0x4f: {  	(tag) =	ssettag $0x2  }
0x50: {  	s0 =	rddreg [dreg:$0x0];
	s2 =	stileid.u32  }
0x51: {  	s1 =	rddreg [dreg:$0x1];
	p0 =	sne.s32 s2, $0x0  }
0x52: {  	s3 =	rddreg [dreg:$0x2];
	[bflag:$0x3] =	sbarrier.arrive $0xFFFF;
	s2 =	simm.s32 @!p0 $0x1C01  }
0x53: {  	[timem:s3], [sflag:s2] =	dma.local @!p0 [hbm:s0], s1  }
0x54: {  	s0 =	simm.s32 @!p0 $0x1  }
0x55: {  	_ =	swait.ge @!p0 [sflag:s0], s1  }
0x56: {  	s1 =	ssub.s32 @!p0 $0x0, s1;
	[sflag:s0] =	ssyncset.done @!p0 $0x0  }
0x57: {  	[sflag:s0] =	ssyncadd.s32 @!p0 s1  }
0x58: {  	[bflag:$0x3] =	sbarrier.arrive $0xFFFF  }
0x59: {  	_ =	shalt  }

// kernel: kernel.3.cloned.1.call-start
scs
__scs_entry_jumppad:
0x0: {  	(pc) =	sbr.rel $0x88, $3  }
0x1: {  	(tag) =	ssettag $0x0;
	lr =	simm.s32 $0x1  }
0x2: {  	[smem:$0x3F9D] =	sst lr;
	_ =	strace $0xD0000000  }
0x3: {  	_ = 	snop  }
0x4: {  	_ = 	snop  }
0x5: {  	_ = 	snop  }
0x6: {  	_ = 	snop  }
0x7: {  	_ = 	snop  }
__scs_overlays_trampoline_lowered:
0x8: {  	[smem:$0x3FAC] =	sst s0  }
0x9: {  	[smem:$0x3FAD] =	sst s1  }
0xa: {  	[smem:$0x3FAE] =	sst s2  }
0xb: {  	[smem:$0x3FAF] =	sst s3  }
0xc: {  	[smem:$0x3FB0] =	sst s4  }
0xd: {  	[smem:$0x3FB1] =	sst s5  }
0xe: {  	[smem:$0x3FB2] =	sst s6  }
0xf: {  	[smem:$0x3FB3] =	sst s7  }
0x10: {  	[smem:$0x3FB4] =	sst s8  }
0x11: {  	[smem:$0x3FB5] =	sst s9;
	s0 =	simm.s32 @!p0 $0x0  }
0x12: {  	s1 =	sld [smem:$0x3F9B];
	s0 =	simm.s32 @p0 $0x1  }
0x13: {  	[smem:$0x3FB6] =	sst s0;
	s0 =	simm.s32 @!p1 $0x0  }
0x14: {  	s2 =	sld [smem:$0x3F9A];
	s0 =	simm.s32 @p1 $0x1  }
0x15: {  	[smem:$0x3FB7] =	sst s0;
	s0 =	simm.s32 @!p2 $0x0  }
0x16: {  	s3 =	sld [smem:$0x3FDB];
	s0 =	simm.s32 @p2 $0x1  }
0x17: {  	s4 =	simm.s32 $0x1BF5;
	[smem:$0x3FB9] =	sst s0  }
0x18: {  	s0 =	sld [smem:$0x3F9C];
	_ =	swait.ge [sflag:s4], $0x0  }
0x19: {  	s7 =	sld [smem:$0x3F9D]  }
0x1a: {  	s8 =	sadd.s32 $0xFFFFE003, lr  }
0x1b: {  	s9 =	sadd.s32 $0xFFFFFEF7, lr;
	s5 =	simm.s32 $0xFFFFFFFF;
	p2 =	slt.u32 s8, $0xFFFFF086  }
0x1c: {  	p1 =	slt.u32 s9, $0xF7A;
	s5 =	simm.s32 @!p2 $0x0  }
0x1d: {  	s5 =	simm.s32 @p1 $0x1;
	p0 =	seq.s32 s7, s2  }
0x1e: {  	s7 =	smul.u32 @!p0 $0xF7A, s2;
	p2 =	seq.s32 @!p0 s5, $0x0  }
0x1f: {  	s9 =	smul.u32 $0xF7A, s1;
	s8 =	simm.s32 @!p0 $0x1BF5;
	p2 =	por !p2, p0  }
0x20: {  	[sflag:s8] =	ssyncset.s32 @!p0 $0xFFFFF086;
	s6 =	sadd.s32 @!p0 s3, s7;
	s7 =	simm.s32 @!p0 $0x108  }
0x21: {  	s3 =	sadd.s32 s3, s9;
	s6 =	sadd.s32 @!p0 $0x88, s6;
	s7 =	simm.s32 @p2 $0x1082  }
0x22: {  	[simem:s7], [sflag:s8] =	dma.local @!p0 [hbm:s6], $0xF7A  }
0x23: {  	s9 =	sor.u32 $0xD0000000, s2;
	s6 =	simm.s32 $0x108;
	_ =	swait.ge @!p0 [sflag:s8], $0x0  }
0x24: {  	s3 =	sadd.s32 $0x88, s3;
	s6 =	simm.s32 @!p1 $0x1082;
	[sflag:s4] =	ssyncset.s32 $0xFFFFF086  }
0x25: {  	[simem:s6], [sflag:s4] =	dma.local [hbm:s3], $0xF7A  }
0x26: {  	[smem:$0x3F9D] =	sst s1;
	(tag) =	ssettag s2;
	_ =	strace s9  }
0x27: {  	s1 =	sld [smem:$0x3FAD]  }
0x28: {  	s2 =	sld [smem:$0x3FAE]  }
0x29: {  	s4 =	sld [smem:$0x3FB0]  }
0x2a: {  	p0 =	seq.s32 s5, $0x0;
	s5 =	sld [smem:$0x3FB1]  }
0x2b: {  	s6 =	sld [smem:$0x3FB2]  }
0x2c: {  	s7 =	sld [smem:$0x3FB3]  }
0x2d: {  	s3 =	simm.s32 $0x108;
	s8 =	sld [smem:$0x3FB4]  }
0x2e: {  	s3 =	simm.s32 @!p0 $0x1082;
	s9 =	sld [smem:$0x3FB5]  }
0x2f: {  	lr =	sadd.s32 s0, s3;
	s0 =	sld [smem:$0x3FAC]  }
0x30: {  	s3 =	sld [smem:$0x3FAF]  }
0x31: {  	[smem:$0x3FB8] =	sst s10  }
0x32: {  	s10 =	sld [smem:$0x3FB6];
	_ =	sdelay $0x3  }
0x33: {  	p0 =	seq.s32 s10, $0x1;
	s10 =	sld [smem:$0x3FB8];
	_ =	sdelay $0x3  }
0x34: {  	[smem:$0x3FB8] =	sst s10  }
0x35: {  	s10 =	sld [smem:$0x3FB7];
	_ =	sdelay $0x3  }
0x36: {  	p1 =	seq.s32 s10, $0x1;
	s10 =	sld [smem:$0x3FB8];
	_ =	sdelay $0x3  }
0x37: {  	[smem:$0x3FB8] =	sst s10  }
0x38: {  	s10 =	sld [smem:$0x3FB9]  }
0x39: {  	_ = 	snop;
	(pc) =	sbr.ind lr, $3  }
0x3a: {  	_ = 	snop  }
0x3b: {  	_ = 	snop  }
0x3c: {  	p2 =	seq.s32 s10, $0x1;
	s10 =	sld [smem:$0x3FB8]  }
0x3d: {  	_ =	shalt  }
0x3e: {  	_ =	shalt  }
0x3f: {  	_ =	shalt  }
0x40: {  	_ =	shalt  }
0x41: {  	_ =	shalt  }
0x42: {  	_ =	shalt  }
0x43: {  	_ =	shalt  }
0x44: {  	_ =	shalt  }
0x45: {  	_ =	shalt  }
0x46: {  	_ =	shalt  }
0x47: {  	_ =	shalt  }
0x48: {  	_ =	shalt  }
0x49: {  	_ =	shalt  }
0x4a: {  	_ =	shalt  }
0x4b: {  	_ =	shalt  }
0x4c: {  	_ =	shalt  }
0x4d: {  	_ =	shalt  }
0x4e: {  	_ =	shalt  }
0x4f: {  	_ =	shalt  }
0x50: {  	_ =	shalt  }
0x51: {  	_ =	shalt  }
0x52: {  	_ =	shalt  }
0x53: {  	_ =	shalt  }
0x54: {  	_ =	shalt  }
0x55: {  	_ =	shalt  }
0x56: {  	_ =	shalt  }
0x57: {  	_ =	shalt  }
0x58: {  	_ =	shalt  }
0x59: {  	_ =	shalt  }
0x5a: {  	_ =	shalt  }
0x5b: {  	_ =	shalt  }
0x5c: {  	_ =	shalt  }
0x5d: {  	_ =	shalt  }
0x5e: {  	_ =	shalt  }
0x5f: {  	_ =	shalt  }
0x60: {  	_ =	shalt  }
0x61: {  	_ =	shalt  }
0x62: {  	_ =	shalt  }
0x63: {  	_ =	shalt  }
0x64: {  	_ =	shalt  }
0x65: {  	_ =	shalt  }
0x66: {  	_ =	shalt  }
0x67: {  	_ =	shalt  }
0x68: {  	_ =	shalt  }
0x69: {  	_ =	shalt  }
0x6a: {  	_ =	shalt  }
0x6b: {  	_ =	shalt  }
0x6c: {  	_ =	shalt  }
0x6d: {  	_ =	shalt  }
0x6e: {  	_ =	shalt  }
0x6f: {  	_ =	shalt  }
0x70: {  	_ =	shalt  }
0x71: {  	_ =	shalt  }
0x72: {  	_ =	shalt  }
0x73: {  	_ =	shalt  }
0x74: {  	_ =	shalt  }
0x75: {  	_ =	shalt  }
0x76: {  	_ =	shalt  }
0x77: {  	_ =	shalt  }
0x78: {  	_ =	shalt  }
0x79: {  	_ =	shalt  }
0x7a: {  	_ =	shalt  }
0x7b: {  	_ =	shalt  }
0x7c: {  	_ =	shalt  }
0x7d: {  	_ =	shalt  }
0x7e: {  	_ =	shalt  }
0x7f: {  	_ =	shalt  }
0x80: {  	_ =	shalt  }
0x81: {  	_ =	shalt  }
0x82: {  	_ =	shalt  }
0x83: {  	_ =	shalt  }
0x84: {  	_ =	shalt  }
0x85: {  	_ =	shalt  }
0x86: {  	_ =	shalt  }
0x87: {  	_ =	shalt  }
.Lfunc_end0:
.L_simem_size_0:
called_computation.1_lowered:
.L_overlay_start_0:
0x88: {  	s2 =	sld [smem:$0x3FD9]  }
0x89: {  	s3 =	sld [smem:$0x3FFE];
	_ =	sdelay $0x1  }
0x8a: {  	s1 =	srdreg.scid  }
0x8b: {  	s0 =	sand.u32 $0x1, s1  }
0x8c: {  	s17 =	sshll.u32 s0, $0xA;
	s2 =	sadd.s32 s3, s2  }
0x8d: {  	s2 =	sadd.s32 s2, s17  }
0x8e: {  	[smem:$0x3FC4] =	sst s2  }
0x8f: {  	_ = 	snop  }
0x90: {  	s2 =	sld [smem:$0x3FC7];
	(tm) =	ssettm $0x1  }
0x91: {  	s18 =	sld [smem:$0x3FFB];
	_ =	sdelay $0x3  }
0x92: {  	_ =	strace s18  }
0x93: {  	s3 =	sld [smem:$0x3FFC];
	_ =	sdelay $0x3  }
0x94: {  	_ =	strace s3  }
0x95: {  	s3 =	sld [smem:$0x3FFD];
	_ =	sdelay $0x3  }
0x96: {  	_ =	strace s3  }
0x97: {  	_ =	strace $0x8FFFFFFF  }
0x98: {  	s19 =	sld [smem:$0x3FDB];
	_ =	sdelay $0x1  }
0x99: {  	s4 =	simm.s32 $_scs_section_size  }
0x9a: {  	s5 =	simm.s32 $_size__tile_overlayer_lowered;
	s6 =	simm.s32 $_tile_overlayer_lowered  }
0x9b: {  	s22 =	simm.s32 $0x1BFF;
	s21 =	sshll.u32 s6, $0x1;
	s3 =	sadd.s32 s4, s19  }
0x9c: {  	s7 =	simm.s32 $0x0;
	s20 =	sshll.u32 s5, $0x1;
	s5 =	sadd.s32 s21, s3  }
0x9d: {  	[timem:s7], [sflag:s22] =	dma.local [hbm:s5], s20  }
0x9e: {  	_ =	swait.ge [sflag:s22], s20  }
0x9f: {  	s4 =	ssub.s32 $0x0, s20;
	[sflag:s22] =	ssyncset.done $0x0  }
0xa0: {  	[sflag:s22] =	ssyncadd.s32 s4;
	_ =	sdelay $0x1  }
0xa1: {  	s23 =	simm.s32 $0x1B8B  }
0xa2: {  	_ =	swait.ge [sflag:s23], $0x1  }
0xa3: {  	[sflag:s23] =	ssyncset.done $0x0  }
0xa4: {  	s25 =	simm.s32 $0x1B8E;
	s24 =	sld [smem:$0x3FFE];
	[sflag:s23] =	ssyncadd.s32 $0xFFFFFFFF  }
0xa5: {  	s26 =	simm.s32 $execute0_lowered;
	[smem:$0x3FD2] =	sst s25  }
0xa6: {  	s5 =	sshll.u32 s26, $0x1;
	_ =	strace $0x80000046;
	[dreg:$0x1] =	wrdreg $0xFFFFFFFF  }
0xa7: {  	s28 =	simm.s32 $_size_execute0_lowered;
	s3 =	sadd.s32 s3, s5;
	[dreg:$0x0] =	wrdreg $0x0  }
0xa8: {  	s5 =	sshll.u32 s28, $0x1;
	[dreg:$0x2] =	wrdreg s3  }
0xa9: {  	[dreg:$0x3] =	wrdreg s5  }
0xaa: {  	[dreg:$0x4] =	wrdreg $0xC0  }
0xab: {  	_ =	task [dreg:s7], $0x5FFFF  }
0xac: {  	[dreg:$0x1] =	wrdreg $0xFFFFFFFF  }
0xad: {  	[dreg:$0x0] =	wrdreg $0x60  }
0xae: {  	[dreg:$0x2] =	wrdreg s24  }
0xaf: {  	[dreg:$0x3] =	wrdreg s2  }
0xb0: {  	[dreg:$0x4] =	wrdreg $0x9  }
0xb1: {  	_ =	task.clear_ibuf [dreg:s7], $0x5FFFF;
	_ =	strace $0x90000046  }
0xb2: {  	s29 =	simm.s32 $0x9;
	_ =	strace $0x80000048  }
0xb3: {  	_ =	swait.ge [sflag:s29], $0x1  }
0xb4: {  	[sflag:s29] =	ssyncadd.s32 $0xFFFFFFFF  }
0xb5: {  	_ =	strace $0x90000048  }
0xb6: {  	_ =	sfence  }
0xb7: {  	s30 =	sld [smem:$0x0];
	_ =	sdelay $0x2  }
0xb8: {  	s31 =	sshll.u32 s1, $0xD;
	s1 =	sshrl.u32 s1, $0x2  }
0xb9: {  	s3 =	sand.u32 $0x4000, s31;
	s1 =	sadd.s32 s1, s30  }
0xba: {  	s0 =	sor.u32 s3, s0;
	s1 =	sshll.u32 s1, $0x11  }
0xbb: {  	s0 =	sor.u32 s1, s0  }
0xbc: {  	s0 =	sadd.s32 $0x8F2B, s0  }
0xbd: {  	[sflag:s0] =	ssyncadd.remote.s32 $0x1  }
0xbe: {  	_ =	sfence.sel $0xFFFF  }
0xbf: {  	[dreg:$0x0] =	wrdreg $0xFFFFFFFF;
	(pc) =	sbr.abs _section_cstart, $3  }
0xc0: {  	[dreg:$0x1] =	wrdreg $0xFFFFFFFF  }
0xc1: {  	_ =	task.clear_ibuf [dreg:s7], $0x2FFFF;
	_ =	strace $0x9FFFFFFF  }
0xc2: {  	(tm) =	ssettm $0x7FFFFFFF  }
0xc3: {  	_ =	shalt  }
tec
execute0_lowered:
.L_overlay_start_1:
0x0: {  	(tag) =	ssettag $0x1  }
0x1: {  	s0 =	srdreg.scid  }
0x2: {  	s2 =	stileid.u32;
	s1 =	rddreg [dreg:$0x0]  }
0x3: {  	s4 =	rddreg [dreg:$0x1];
	s31 =	simm.s32 $0x4;
	s9 =	simm.s32 $0x20  }
0x4: {  	s10 =	simm.s32 $0x200;
	s12 =	simm.s32 $0x1;
	s7 =	simm.s32 $0x7F00  }
0x5: {  	s8 =	simm.s32 $0x2;
	s30 =	simm.s32 $0x40;
	s29 =	simm.s32 $0x60  }
0x6: {  	s28 =	simm.s32 $0x80;
	p0 =	por $0x0, $0x0;
	s0 =	sand.u32 $0x1, s0  }
0x7: {  	s2 =	sshll.u32 s2, $0xA;
	s3 =	sshll.u32 s0, $0x9;
	s0 =	ssub.s32 $0x2, s0  }
0x8: {  	s3 =	sor.u32 s3, s2;
	s2 =	simm.s32 $0x0;
	s24 =	sshrl.u32 s0, $0x1  }
0x9: {  	s5 =	smul.u32 $0x3E8, s3;
	[smem:$0x7FF] =	sst s2;
	s6 =	sshrl.u32 s3, $0x3  }
0xa: {  	s3 =	smul.u32 $0x7D, s3;
	s0 =	ssub.s32 s0, s24;
	_ =	strace $0x80000047  }
0xb: {  	s4 =	sadd.s32 s4, s6;
	s0 =	smax.u32 s0, $0x1;
	s5 =	sshrl.u32 s5, $0x3  }
0xc: {  	[dreg:$0x3] =	wrdreg s4;
	s3 =	sadd.s32 s1, s3;
	p1 =	sne.s32 s0, $0x1  }
0xd: {  	s17 =	sadd.s32 s1, s5;
	[dreg:$0x4] =	wrdreg s3;
	s3 =	sadd.s32 $0x61A800, s1  }
0xe: {  	s1 =	sadd.s32 $0xFFFFFFFF, s0;
	s0 =	rddreg [dreg:$0x3];
	s18 =	sadd.s32 $0xFA0, s17  }
0xf: {  	s15 =	simm.s32 $0x1E0;
	s19 =	sadd.s32 $0x1F40, s17;
	[dreg:$0x5] =	wrdreg s18  }
0x10: {  	s24 =	simm.s32 $0xE0;
	s20 =	sadd.s32 $0x2EE0, s17;
	[dreg:$0x6] =	wrdreg s19  }
0x11: {  	s21 =	sadd.s32 $0x3E80, s17;
	s5 =	sadd.s32 $0x4E20, s17;
	[dreg:$0x7] =	wrdreg s20  }
0x12: {  	s22 =	sadd.s32 $0x5DC0, s17;
	s23 =	sadd.s32 $0x6D60, s17;
	[dreg:$0x8] =	wrdreg s21  }
0x13: {  	s25 =	sadd.s32 $0x7D00, s17;
	s26 =	sadd.s32 $0x8CA0, s17;
	[dreg:$0x9] =	wrdreg s5  }
0x14: {  	s16 =	sadd.s32 $0x9C40, s17;
	s14 =	sadd.s32 $0xABE0, s17;
	[dreg:$0xa] =	wrdreg s22  }
0x15: {  	s13 =	sadd.s32 $0xBB80, s17;
	s11 =	sadd.s32 $0xCB20, s17;
	[dreg:$0xb] =	wrdreg s23  }
.Ltmp0:
0x16: {  	s6 =	sadd.s32 $0xDAC0, s17;
	[dreg:$0xc] =	wrdreg s25;
	(pc) =	sbr.rel @!p1 .LBB2_3-.Ltmp0, $4  }
0x17: {  	s4 =	sadd.s32 $0xEA60, s17;
	s17 =	simm.s32 $0x1C0;
	[dreg:$0xd] =	wrdreg s26  }
0x18: {  	s5 =	simm.s32 $0x3;
	s26 =	simm.s32 $0xA0;
	s25 =	simm.s32 $0xC0  }
0x19: {  	s23 =	simm.s32 $0x100;
	s22 =	simm.s32 $0x120;
	s21 =	simm.s32 $0x140  }
0x1a: {  	s20 =	simm.s32 $0x160;
	s19 =	simm.s32 $0x180;
	s18 =	simm.s32 $0x1A0  }
0x1b: {  	[tilespmem:s2], [sflag:$0x4] =	stream.linear.gather [hbm4b:s0+s2], $0x200, $0x38;
	[tilespmem:$0xFC00] =	vst v63  }
0x1c: {  	_ =	swait.ge [sflag:s31], $0x200  }
0x1d: {  	[sflag:s31] =	ssyncset.done $0x0  }
0x1e: {  	[sflag:s31] =	ssyncadd.s32 $0xFFFFFE00  }
0x1f: {  	[tilespmem:s10], [sflag:$0x1] =	stream.indirect.gather [hbm4b:s3+s9], $0x3E8, s2, s9, $0xb8;
	[tilespmem:$0xFC00] =	vst v63  }
0x20: {  	_ =	swait.ge [sflag:s12], $0x7D00  }
0x21: {  	[sflag:s12] =	ssyncset.done $0x0  }
0x22: {  	[sflag:s12] =	ssyncadd.s32 $0xFFFF8300  }
0x23: {  	[tilespmem:s7], [sflag:$0x2] =	stream.indirect.gather [hbm4b:s3+s9], $0x3E8, s9, s9, $0xb8;
	[tilespmem:$0xFC00] =	vst v63  }
0x24: {  	s0 =	rddreg [dreg:$0x4]  }
0x25: {  	[hbm4b:s0+s2] =	stream.linear.scatter [tilespmem:s10], [sflag:$0x3], $0x7D00, $0x38;
	[tilespmem:$0xFC00] =	vst v63  }
0x26: {  	_ =	swait.ge [sflag:s5], $0x7D00  }
0x27: {  	[sflag:s5] =	ssyncset.done $0x0  }
0x28: {  	[sflag:s5] =	ssyncadd.s32 $0xFFFF8300  }
0x29: {  	_ =	swait.ge [sflag:s8], $0x7D00  }
0x2a: {  	[sflag:s8] =	ssyncset.done $0x0  }
0x2b: {  	[sflag:s8] =	ssyncadd.s32 $0xFFFF8300  }
0x2c: {  	[tilespmem:s10], [sflag:$0x1] =	stream.indirect.gather [hbm4b:s3+s9], $0x3E8, s30, s9, $0xb8;
	[tilespmem:$0xFC00] =	vst v63  }
0x2d: {  	s0 =	rddreg [dreg:$0x5]  }
0x2e: {  	[hbm4b:s0+s2] =	stream.linear.scatter [tilespmem:s7], [sflag:$0x3], $0x7D00, $0x38;
	[tilespmem:$0xFC00] =	vst v63  }
0x2f: {  	_ =	swait.ge [sflag:s5], $0x7D00  }
0x30: {  	[sflag:s5] =	ssyncset.done $0x0  }
0x31: {  	[sflag:s5] =	ssyncadd.s32 $0xFFFF8300  }
0x32: {  	_ =	swait.ge [sflag:s12], $0x7D00  }
0x33: {  	[sflag:s12] =	ssyncset.done $0x0  }
0x34: {  	[sflag:s12] =	ssyncadd.s32 $0xFFFF8300  }
0x35: {  	[tilespmem:s7], [sflag:$0x2] =	stream.indirect.gather [hbm4b:s3+s9], $0x3E8, s29, s9, $0xb8;
	[tilespmem:$0xFC00] =	vst v63  }
0x36: {  	s0 =	rddreg [dreg:$0x6]  }
0x37: {  	[hbm4b:s0+s2] =	stream.linear.scatter [tilespmem:s10], [sflag:$0x3], $0x7D00, $0x38;
	[tilespmem:$0xFC00] =	vst v63  }
0x38: {  	_ =	swait.ge [sflag:s5], $0x7D00  }
0x39: {  	[sflag:s5] =	ssyncset.done $0x0  }
0x3a: {  	[sflag:s5] =	ssyncadd.s32 $0xFFFF8300  }
0x3b: {  	_ =	swait.ge [sflag:s8], $0x7D00  }
0x3c: {  	[sflag:s8] =	ssyncset.done $0x0  }
0x3d: {  	[sflag:s8] =	ssyncadd.s32 $0xFFFF8300  }
0x3e: {  	[tilespmem:s10], [sflag:$0x1] =	stream.indirect.gather [hbm4b:s3+s9], $0x3E8, s28, s9, $0xb8;
	[tilespmem:$0xFC00] =	vst v63  }
0x3f: {  	s0 =	rddreg [dreg:$0x7]  }
0x40: {  	[hbm4b:s0+s2] =	stream.linear.scatter [tilespmem:s7], [sflag:$0x3], $0x7D00, $0x38;
	[tilespmem:$0xFC00] =	vst v63  }
0x41: {  	_ =	swait.ge [sflag:s5], $0x7D00  }
0x42: {  	[sflag:s5] =	ssyncset.done $0x0  }
0x43: {  	[sflag:s5] =	ssyncadd.s32 $0xFFFF8300  }
0x44: {  	_ =	swait.ge [sflag:s12], $0x7D00  }
0x45: {  	[sflag:s12] =	ssyncset.done $0x0  }
0x46: {  	[sflag:s12] =	ssyncadd.s32 $0xFFFF8300  }
0x47: {  	[tilespmem:s7], [sflag:$0x2] =	stream.indirect.gather [hbm4b:s3+s9], $0x3E8, s26, s9, $0xb8;
	[tilespmem:$0xFC00] =	vst v63  }
0x48: {  	s0 =	rddreg [dreg:$0x8]  }
0x49: {  	[hbm4b:s0+s2] =	stream.linear.scatter [tilespmem:s10], [sflag:$0x3], $0x7D00, $0x38;
	[tilespmem:$0xFC00] =	vst v63  }
0x4a: {  	_ =	swait.ge [sflag:s5], $0x7D00  }
0x4b: {  	[sflag:s5] =	ssyncset.done $0x0  }
0x4c: {  	[sflag:s5] =	ssyncadd.s32 $0xFFFF8300  }
0x4d: {  	_ =	swait.ge [sflag:s8], $0x7D00  }
0x4e: {  	[sflag:s8] =	ssyncset.done $0x0  }
0x4f: {  	[sflag:s8] =	ssyncadd.s32 $0xFFFF8300  }
0x50: {  	[tilespmem:s10], [sflag:$0x1] =	stream.indirect.gather [hbm4b:s3+s9], $0x3E8, s25, s9, $0xb8;
	[tilespmem:$0xFC00] =	vst v63  }
0x51: {  	s0 =	rddreg [dreg:$0x9]  }
0x52: {  	[hbm4b:s0+s2] =	stream.linear.scatter [tilespmem:s7], [sflag:$0x3], $0x7D00, $0x38;
	[tilespmem:$0xFC00] =	vst v63  }
0x53: {  	_ =	swait.ge [sflag:s5], $0x7D00  }
0x54: {  	[sflag:s5] =	ssyncset.done $0x0  }
0x55: {  	[sflag:s5] =	ssyncadd.s32 $0xFFFF8300  }
0x56: {  	_ =	swait.ge [sflag:s12], $0x7D00  }
0x57: {  	[sflag:s12] =	ssyncset.done $0x0  }
0x58: {  	[sflag:s12] =	ssyncadd.s32 $0xFFFF8300  }
0x59: {  	[tilespmem:s7], [sflag:$0x2] =	stream.indirect.gather [hbm4b:s3+s9], $0x3E8, s24, s9, $0xb8;
	[tilespmem:$0xFC00] =	vst v63  }
0x5a: {  	s0 =	rddreg [dreg:$0xa]  }
0x5b: {  	[hbm4b:s0+s2] =	stream.linear.scatter [tilespmem:s10], [sflag:$0x3], $0x7D00, $0x38;
	[tilespmem:$0xFC00] =	vst v63  }
0x5c: {  	_ =	swait.ge [sflag:s5], $0x7D00  }
0x5d: {  	[sflag:s5] =	ssyncset.done $0x0  }
0x5e: {  	[sflag:s5] =	ssyncadd.s32 $0xFFFF8300  }
0x5f: {  	_ =	swait.ge [sflag:s8], $0x7D00  }
0x60: {  	[sflag:s8] =	ssyncset.done $0x0  }
0x61: {  	[sflag:s8] =	ssyncadd.s32 $0xFFFF8300  }
0x62: {  	[tilespmem:s10], [sflag:$0x1] =	stream.indirect.gather [hbm4b:s3+s9], $0x3E8, s23, s9, $0xb8;
	[tilespmem:$0xFC00] =	vst v63  }
0x63: {  	s0 =	rddreg [dreg:$0xb]  }
0x64: {  	[hbm4b:s0+s2] =	stream.linear.scatter [tilespmem:s7], [sflag:$0x3], $0x7D00, $0x38;
	[tilespmem:$0xFC00] =	vst v63  }
0x65: {  	_ =	swait.ge [sflag:s5], $0x7D00  }
0x66: {  	[sflag:s5] =	ssyncset.done $0x0  }
0x67: {  	[sflag:s5] =	ssyncadd.s32 $0xFFFF8300  }
0x68: {  	_ =	swait.ge [sflag:s12], $0x7D00  }
0x69: {  	[sflag:s12] =	ssyncset.done $0x0  }
0x6a: {  	[sflag:s12] =	ssyncadd.s32 $0xFFFF8300  }
0x6b: {  	[tilespmem:s7], [sflag:$0x2] =	stream.indirect.gather [hbm4b:s3+s9], $0x3E8, s22, s9, $0xb8;
	[tilespmem:$0xFC00] =	vst v63  }
0x6c: {  	s0 =	rddreg [dreg:$0xc]  }
0x6d: {  	[hbm4b:s0+s2] =	stream.linear.scatter [tilespmem:s10], [sflag:$0x3], $0x7D00, $0x38;
	[tilespmem:$0xFC00] =	vst v63  }
0x6e: {  	_ =	swait.ge [sflag:s5], $0x7D00  }
0x6f: {  	[sflag:s5] =	ssyncset.done $0x0  }
0x70: {  	[sflag:s5] =	ssyncadd.s32 $0xFFFF8300  }
0x71: {  	_ =	swait.ge [sflag:s8], $0x7D00  }
0x72: {  	[sflag:s8] =	ssyncset.done $0x0  }
0x73: {  	[sflag:s8] =	ssyncadd.s32 $0xFFFF8300  }
0x74: {  	[tilespmem:s10], [sflag:$0x1] =	stream.indirect.gather [hbm4b:s3+s9], $0x3E8, s21, s9, $0xb8;
	[tilespmem:$0xFC00] =	vst v63  }
0x75: {  	s0 =	rddreg [dreg:$0xd]  }
0x76: {  	[hbm4b:s0+s2] =	stream.linear.scatter [tilespmem:s7], [sflag:$0x3], $0x7D00, $0x38;
	[tilespmem:$0xFC00] =	vst v63  }
0x77: {  	_ =	swait.ge [sflag:s5], $0x7D00  }
0x78: {  	[sflag:s5] =	ssyncset.done $0x0  }
0x79: {  	[sflag:s5] =	ssyncadd.s32 $0xFFFF8300  }
0x7a: {  	_ =	swait.ge [sflag:s12], $0x7D00  }
0x7b: {  	[sflag:s12] =	ssyncset.done $0x0  }
0x7c: {  	[sflag:s12] =	ssyncadd.s32 $0xFFFF8300  }
0x7d: {  	[tilespmem:s7], [sflag:$0x2] =	stream.indirect.gather [hbm4b:s3+s9], $0x3E8, s20, s9, $0xb8;
	[tilespmem:$0xFC00] =	vst v63  }
0x7e: {  	_ = 	snop  }
0x7f: {  	[hbm4b:s16+s2] =	stream.linear.scatter [tilespmem:s10], [sflag:$0x3], $0x7D00, $0x38;
	[tilespmem:$0xFC00] =	vst v63  }
0x80: {  	_ =	swait.ge [sflag:s5], $0x7D00  }
0x81: {  	[sflag:s5] =	ssyncset.done $0x0  }
0x82: {  	[sflag:s5] =	ssyncadd.s32 $0xFFFF8300  }
0x83: {  	_ =	swait.ge [sflag:s8], $0x7D00  }
0x84: {  	[sflag:s8] =	ssyncset.done $0x0  }
0x85: {  	[sflag:s8] =	ssyncadd.s32 $0xFFFF8300  }
0x86: {  	[tilespmem:s10], [sflag:$0x1] =	stream.indirect.gather [hbm4b:s3+s9], $0x3E8, s19, s9, $0xb8;
	[tilespmem:$0xFC00] =	vst v63  }
0x87: {  	_ = 	snop  }
0x88: {  	[hbm4b:s14+s2] =	stream.linear.scatter [tilespmem:s7], [sflag:$0x3], $0x7D00, $0x38;
	[tilespmem:$0xFC00] =	vst v63  }
0x89: {  	_ =	swait.ge [sflag:s5], $0x7D00  }
0x8a: {  	[sflag:s5] =	ssyncset.done $0x0  }
0x8b: {  	[sflag:s5] =	ssyncadd.s32 $0xFFFF8300  }
0x8c: {  	_ =	swait.ge [sflag:s12], $0x7D00  }
0x8d: {  	[sflag:s12] =	ssyncset.done $0x0  }
0x8e: {  	[sflag:s12] =	ssyncadd.s32 $0xFFFF8300  }
0x8f: {  	[tilespmem:s7], [sflag:$0x2] =	stream.indirect.gather [hbm4b:s3+s9], $0x3E8, s18, s9, $0xb8;
	[tilespmem:$0xFC00] =	vst v63  }
0x90: {  	_ = 	snop  }
0x91: {  	[hbm4b:s13+s2] =	stream.linear.scatter [tilespmem:s10], [sflag:$0x3], $0x7D00, $0x38;
	[tilespmem:$0xFC00] =	vst v63  }
0x92: {  	_ =	swait.ge [sflag:s5], $0x7D00  }
0x93: {  	[sflag:s5] =	ssyncset.done $0x0  }
0x94: {  	[sflag:s5] =	ssyncadd.s32 $0xFFFF8300  }
0x95: {  	_ =	swait.ge [sflag:s8], $0x7D00  }
0x96: {  	[sflag:s8] =	ssyncset.done $0x0  }
0x97: {  	[sflag:s8] =	ssyncadd.s32 $0xFFFF8300  }
0x98: {  	[tilespmem:s10], [sflag:$0x1] =	stream.indirect.gather [hbm4b:s3+s9], $0x3E8, s17, s9, $0xb8;
	[tilespmem:$0xFC00] =	vst v63  }
0x99: {  	_ = 	snop  }
0x9a: {  	[hbm4b:s11+s2] =	stream.linear.scatter [tilespmem:s7], [sflag:$0x3], $0x7D00, $0x38;
	[tilespmem:$0xFC00] =	vst v63  }
0x9b: {  	_ =	swait.ge [sflag:s5], $0x7D00  }
0x9c: {  	[sflag:s5] =	ssyncset.done $0x0  }
0x9d: {  	[sflag:s5] =	ssyncadd.s32 $0xFFFF8300  }
0x9e: {  	_ =	swait.ge [sflag:s12], $0x7D00  }
0x9f: {  	[sflag:s12] =	ssyncset.done $0x0  }
0xa0: {  	[sflag:s12] =	ssyncadd.s32 $0xFFFF8300  }
0xa1: {  	[tilespmem:s7], [sflag:$0x2] =	stream.indirect.gather [hbm4b:s3+s9], $0x3E8, s15, s9, $0xb8;
	[tilespmem:$0xFC00] =	vst v63  }
0xa2: {  	_ = 	snop  }
0xa3: {  	[hbm4b:s6+s2] =	stream.linear.scatter [tilespmem:s10], [sflag:$0x3], $0x7D00, $0x38;
	[tilespmem:$0xFC00] =	vst v63  }
0xa4: {  	_ =	swait.ge [sflag:s5], $0x7D00  }
0xa5: {  	[sflag:s5] =	ssyncset.done $0x0  }
0xa6: {  	[sflag:s5] =	ssyncadd.s32 $0xFFFF8300  }
0xa7: {  	p1 =	sne.s32 s1, $0x1;
	_ =	swait.ge [sflag:s8], $0x7D00  }
.Ltmp1:
0xa8: {  	[sflag:s8] =	ssyncset.done $0x0;
	(pc) =	sbr.rel @!p1 .LBB2_3-.Ltmp1, $4  }
0xa9: {  	[sflag:s8] =	ssyncadd.s32 $0xFFFF8300  }
0xaa: {  	[hbm4b:s4+s2] =	stream.linear.scatter [tilespmem:s7], [sflag:$0x3], $0x7D00, $0x38;
	[tilespmem:$0xFC00] =	vst v63  }
0xab: {  	s1 =	sadd.s32 $0xFFFFFFFF, s1;
	_ =	swait.ge [sflag:s5], $0x7D00  }
0xac: {  	p0 =	por $0x1, $0x1;
	s0 =	rddreg [dreg:$0x3];
	[sflag:s5] =	ssyncset.done $0x0  }
.LBB2_2:
0xad: {  	[sflag:s5] =	ssyncadd.s32 $0xFFFF8300  }
0xae: {  	[tilespmem:s2], [sflag:$0x4] =	stream.linear.gather [hbm4b:s0+s2], $0x200, $0x38;
	[tilespmem:$0xFC00] =	vst v63  }
0xaf: {  	_ =	swait.ge [sflag:s31], $0x200  }
0xb0: {  	[sflag:s31] =	ssyncset.done $0x0  }
0xb1: {  	[sflag:s31] =	ssyncadd.s32 $0xFFFFFE00  }
0xb2: {  	[tilespmem:s10], [sflag:$0x1] =	stream.indirect.gather [hbm4b:s3+s9], $0x3E8, s2, s9, $0xb8;
	[tilespmem:$0xFC00] =	vst v63  }
0xb3: {  	_ =	swait.ge [sflag:s12], $0x7D00  }
0xb4: {  	[sflag:s12] =	ssyncset.done $0x0  }
0xb5: {  	[sflag:s12] =	ssyncadd.s32 $0xFFFF8300  }
0xb6: {  	[tilespmem:s7], [sflag:$0x2] =	stream.indirect.gather [hbm4b:s3+s9], $0x3E8, s9, s9, $0xb8;
	[tilespmem:$0xFC00] =	vst v63  }
0xb7: {  	s0 =	rddreg [dreg:$0x4]  }
0xb8: {  	[hbm4b:s0+s2] =	stream.linear.scatter [tilespmem:s10], [sflag:$0x3], $0x7D00, $0x38;
	[tilespmem:$0xFC00] =	vst v63  }
0xb9: {  	_ =	swait.ge [sflag:s5], $0x7D00  }
0xba: {  	[sflag:s5] =	ssyncset.done $0x0  }
0xbb: {  	[sflag:s5] =	ssyncadd.s32 $0xFFFF8300  }
0xbc: {  	_ =	swait.ge [sflag:s8], $0x7D00  }
0xbd: {  	[sflag:s8] =	ssyncset.done $0x0  }
0xbe: {  	[sflag:s8] =	ssyncadd.s32 $0xFFFF8300  }
0xbf: {  	[tilespmem:s10], [sflag:$0x1] =	stream.indirect.gather [hbm4b:s3+s9], $0x3E8, s30, s9, $0xb8;
	[tilespmem:$0xFC00] =	vst v63  }
0xc0: {  	s0 =	rddreg [dreg:$0x5]  }
0xc1: {  	[hbm4b:s0+s2] =	stream.linear.scatter [tilespmem:s7], [sflag:$0x3], $0x7D00, $0x38;
	[tilespmem:$0xFC00] =	vst v63  }
0xc2: {  	_ =	swait.ge [sflag:s5], $0x7D00  }
0xc3: {  	[sflag:s5] =	ssyncset.done $0x0  }
0xc4: {  	[sflag:s5] =	ssyncadd.s32 $0xFFFF8300  }
0xc5: {  	_ =	swait.ge [sflag:s12], $0x7D00  }
0xc6: {  	[sflag:s12] =	ssyncset.done $0x0  }
0xc7: {  	[sflag:s12] =	ssyncadd.s32 $0xFFFF8300  }
0xc8: {  	[tilespmem:s7], [sflag:$0x2] =	stream.indirect.gather [hbm4b:s3+s9], $0x3E8, s29, s9, $0xb8;
	[tilespmem:$0xFC00] =	vst v63  }
0xc9: {  	s0 =	rddreg [dreg:$0x6]  }
0xca: {  	[hbm4b:s0+s2] =	stream.linear.scatter [tilespmem:s10], [sflag:$0x3], $0x7D00, $0x38;
	[tilespmem:$0xFC00] =	vst v63  }
0xcb: {  	_ =	swait.ge [sflag:s5], $0x7D00  }
0xcc: {  	[sflag:s5] =	ssyncset.done $0x0  }
0xcd: {  	[sflag:s5] =	ssyncadd.s32 $0xFFFF8300  }
0xce: {  	_ =	swait.ge [sflag:s8], $0x7D00  }
0xcf: {  	[sflag:s8] =	ssyncset.done $0x0  }
0xd0: {  	[sflag:s8] =	ssyncadd.s32 $0xFFFF8300  }
0xd1: {  	[tilespmem:s10], [sflag:$0x1] =	stream.indirect.gather [hbm4b:s3+s9], $0x3E8, s28, s9, $0xb8;
	[tilespmem:$0xFC00] =	vst v63  }
0xd2: {  	s0 =	rddreg [dreg:$0x7]  }
0xd3: {  	[hbm4b:s0+s2] =	stream.linear.scatter [tilespmem:s7], [sflag:$0x3], $0x7D00, $0x38;
	[tilespmem:$0xFC00] =	vst v63  }
0xd4: {  	_ =	swait.ge [sflag:s5], $0x7D00  }
0xd5: {  	[sflag:s5] =	ssyncset.done $0x0  }
0xd6: {  	[sflag:s5] =	ssyncadd.s32 $0xFFFF8300  }
0xd7: {  	_ =	swait.ge [sflag:s12], $0x7D00  }
0xd8: {  	[sflag:s12] =	ssyncset.done $0x0  }
0xd9: {  	[sflag:s12] =	ssyncadd.s32 $0xFFFF8300  }
0xda: {  	[tilespmem:s7], [sflag:$0x2] =	stream.indirect.gather [hbm4b:s3+s9], $0x3E8, s26, s9, $0xb8;
	[tilespmem:$0xFC00] =	vst v63  }
0xdb: {  	s0 =	rddreg [dreg:$0x8]  }
0xdc: {  	[hbm4b:s0+s2] =	stream.linear.scatter [tilespmem:s10], [sflag:$0x3], $0x7D00, $0x38;
	[tilespmem:$0xFC00] =	vst v63  }
0xdd: {  	_ =	swait.ge [sflag:s5], $0x7D00  }
0xde: {  	[sflag:s5] =	ssyncset.done $0x0  }
0xdf: {  	[sflag:s5] =	ssyncadd.s32 $0xFFFF8300  }
0xe0: {  	_ =	swait.ge [sflag:s8], $0x7D00  }
0xe1: {  	[sflag:s8] =	ssyncset.done $0x0  }
0xe2: {  	[sflag:s8] =	ssyncadd.s32 $0xFFFF8300  }
0xe3: {  	[tilespmem:s10], [sflag:$0x1] =	stream.indirect.gather [hbm4b:s3+s9], $0x3E8, s25, s9, $0xb8;
	[tilespmem:$0xFC00] =	vst v63  }
0xe4: {  	s0 =	rddreg [dreg:$0x9]  }
0xe5: {  	[hbm4b:s0+s2] =	stream.linear.scatter [tilespmem:s7], [sflag:$0x3], $0x7D00, $0x38;
	[tilespmem:$0xFC00] =	vst v63  }
0xe6: {  	_ =	swait.ge [sflag:s5], $0x7D00  }
0xe7: {  	[sflag:s5] =	ssyncset.done $0x0  }
0xe8: {  	[sflag:s5] =	ssyncadd.s32 $0xFFFF8300  }
0xe9: {  	_ =	swait.ge [sflag:s12], $0x7D00  }
0xea: {  	[sflag:s12] =	ssyncset.done $0x0  }
0xeb: {  	[sflag:s12] =	ssyncadd.s32 $0xFFFF8300  }
0xec: {  	[tilespmem:s7], [sflag:$0x2] =	stream.indirect.gather [hbm4b:s3+s9], $0x3E8, s24, s9, $0xb8;
	[tilespmem:$0xFC00] =	vst v63  }
0xed: {  	s0 =	rddreg [dreg:$0xa]  }
0xee: {  	[hbm4b:s0+s2] =	stream.linear.scatter [tilespmem:s10], [sflag:$0x3], $0x7D00, $0x38;
	[tilespmem:$0xFC00] =	vst v63  }
0xef: {  	_ =	swait.ge [sflag:s5], $0x7D00  }
0xf0: {  	[sflag:s5] =	ssyncset.done $0x0  }
0xf1: {  	[sflag:s5] =	ssyncadd.s32 $0xFFFF8300  }
0xf2: {  	_ =	swait.ge [sflag:s8], $0x7D00  }
0xf3: {  	[sflag:s8] =	ssyncset.done $0x0  }
0xf4: {  	[sflag:s8] =	ssyncadd.s32 $0xFFFF8300  }
0xf5: {  	[tilespmem:s10], [sflag:$0x1] =	stream.indirect.gather [hbm4b:s3+s9], $0x3E8, s23, s9, $0xb8;
	[tilespmem:$0xFC00] =	vst v63  }
0xf6: {  	s0 =	rddreg [dreg:$0xb]  }
0xf7: {  	[hbm4b:s0+s2] =	stream.linear.scatter [tilespmem:s7], [sflag:$0x3], $0x7D00, $0x38;
	[tilespmem:$0xFC00] =	vst v63  }
0xf8: {  	_ =	swait.ge [sflag:s5], $0x7D00  }
0xf9: {  	[sflag:s5] =	ssyncset.done $0x0  }
0xfa: {  	[sflag:s5] =	ssyncadd.s32 $0xFFFF8300  }
0xfb: {  	_ =	swait.ge [sflag:s12], $0x7D00  }
0xfc: {  	[sflag:s12] =	ssyncset.done $0x0  }
0xfd: {  	[sflag:s12] =	ssyncadd.s32 $0xFFFF8300  }
0xfe: {  	[tilespmem:s7], [sflag:$0x2] =	stream.indirect.gather [hbm4b:s3+s9], $0x3E8, s22, s9, $0xb8;
	[tilespmem:$0xFC00] =	vst v63  }
0xff: {  	s0 =	rddreg [dreg:$0xc]  }
0x100: {  	[hbm4b:s0+s2] =	stream.linear.scatter [tilespmem:s10], [sflag:$0x3], $0x7D00, $0x38;
	[tilespmem:$0xFC00] =	vst v63  }
0x101: {  	_ =	swait.ge [sflag:s5], $0x7D00  }
0x102: {  	[sflag:s5] =	ssyncset.done $0x0  }
0x103: {  	[sflag:s5] =	ssyncadd.s32 $0xFFFF8300  }
0x104: {  	_ =	swait.ge [sflag:s8], $0x7D00  }
0x105: {  	[sflag:s8] =	ssyncset.done $0x0  }
0x106: {  	[sflag:s8] =	ssyncadd.s32 $0xFFFF8300  }
0x107: {  	[tilespmem:s10], [sflag:$0x1] =	stream.indirect.gather [hbm4b:s3+s9], $0x3E8, s21, s9, $0xb8;
	[tilespmem:$0xFC00] =	vst v63  }
0x108: {  	s0 =	rddreg [dreg:$0xd]  }
0x109: {  	[hbm4b:s0+s2] =	stream.linear.scatter [tilespmem:s7], [sflag:$0x3], $0x7D00, $0x38;
	[tilespmem:$0xFC00] =	vst v63  }
0x10a: {  	_ =	swait.ge [sflag:s5], $0x7D00  }
0x10b: {  	[sflag:s5] =	ssyncset.done $0x0  }
0x10c: {  	[sflag:s5] =	ssyncadd.s32 $0xFFFF8300  }
0x10d: {  	_ =	swait.ge [sflag:s12], $0x7D00  }
0x10e: {  	[sflag:s12] =	ssyncset.done $0x0  }
0x10f: {  	[sflag:s12] =	ssyncadd.s32 $0xFFFF8300  }
0x110: {  	[tilespmem:s7], [sflag:$0x2] =	stream.indirect.gather [hbm4b:s3+s9], $0x3E8, s20, s9, $0xb8;
	[tilespmem:$0xFC00] =	vst v63  }
0x111: {  	_ = 	snop  }
0x112: {  	[hbm4b:s16+s2] =	stream.linear.scatter [tilespmem:s10], [sflag:$0x3], $0x7D00, $0x38;
	[tilespmem:$0xFC00] =	vst v63  }
0x113: {  	_ =	swait.ge [sflag:s5], $0x7D00  }
0x114: {  	[sflag:s5] =	ssyncset.done $0x0  }
0x115: {  	[sflag:s5] =	ssyncadd.s32 $0xFFFF8300  }
0x116: {  	_ =	swait.ge [sflag:s8], $0x7D00  }
0x117: {  	[sflag:s8] =	ssyncset.done $0x0  }
0x118: {  	[sflag:s8] =	ssyncadd.s32 $0xFFFF8300  }
0x119: {  	[tilespmem:s10], [sflag:$0x1] =	stream.indirect.gather [hbm4b:s3+s9], $0x3E8, s19, s9, $0xb8;
	[tilespmem:$0xFC00] =	vst v63  }
0x11a: {  	_ = 	snop  }
0x11b: {  	[hbm4b:s14+s2] =	stream.linear.scatter [tilespmem:s7], [sflag:$0x3], $0x7D00, $0x38;
	[tilespmem:$0xFC00] =	vst v63  }
0x11c: {  	_ =	swait.ge [sflag:s5], $0x7D00  }
0x11d: {  	[sflag:s5] =	ssyncset.done $0x0  }
0x11e: {  	[sflag:s5] =	ssyncadd.s32 $0xFFFF8300  }
0x11f: {  	_ =	swait.ge [sflag:s12], $0x7D00  }
0x120: {  	[sflag:s12] =	ssyncset.done $0x0  }
0x121: {  	[sflag:s12] =	ssyncadd.s32 $0xFFFF8300  }
0x122: {  	[tilespmem:s7], [sflag:$0x2] =	stream.indirect.gather [hbm4b:s3+s9], $0x3E8, s18, s9, $0xb8;
	[tilespmem:$0xFC00] =	vst v63  }
0x123: {  	_ = 	snop  }
0x124: {  	[hbm4b:s13+s2] =	stream.linear.scatter [tilespmem:s10], [sflag:$0x3], $0x7D00, $0x38;
	[tilespmem:$0xFC00] =	vst v63  }
0x125: {  	_ =	swait.ge [sflag:s5], $0x7D00  }
0x126: {  	[sflag:s5] =	ssyncset.done $0x0  }
0x127: {  	[sflag:s5] =	ssyncadd.s32 $0xFFFF8300  }
0x128: {  	_ =	swait.ge [sflag:s8], $0x7D00  }
0x129: {  	[sflag:s8] =	ssyncset.done $0x0  }
0x12a: {  	[sflag:s8] =	ssyncadd.s32 $0xFFFF8300  }
0x12b: {  	[tilespmem:s10], [sflag:$0x1] =	stream.indirect.gather [hbm4b:s3+s9], $0x3E8, s17, s9, $0xb8;
	[tilespmem:$0xFC00] =	vst v63  }
0x12c: {  	_ = 	snop  }
0x12d: {  	[hbm4b:s11+s2] =	stream.linear.scatter [tilespmem:s7], [sflag:$0x3], $0x7D00, $0x38;
	[tilespmem:$0xFC00] =	vst v63  }
0x12e: {  	_ =	swait.ge [sflag:s5], $0x7D00  }
0x12f: {  	[sflag:s5] =	ssyncset.done $0x0  }
0x130: {  	[sflag:s5] =	ssyncadd.s32 $0xFFFF8300  }
0x131: {  	_ =	swait.ge [sflag:s12], $0x7D00  }
0x132: {  	[sflag:s12] =	ssyncset.done $0x0  }
0x133: {  	[sflag:s12] =	ssyncadd.s32 $0xFFFF8300  }
0x134: {  	[tilespmem:s7], [sflag:$0x2] =	stream.indirect.gather [hbm4b:s3+s9], $0x3E8, s15, s9, $0xb8;
	[tilespmem:$0xFC00] =	vst v63  }
0x135: {  	_ = 	snop  }
0x136: {  	[hbm4b:s6+s2] =	stream.linear.scatter [tilespmem:s10], [sflag:$0x3], $0x7D00, $0x38;
	[tilespmem:$0xFC00] =	vst v63  }
0x137: {  	_ =	swait.ge [sflag:s5], $0x7D00  }
0x138: {  	[sflag:s5] =	ssyncset.done $0x0  }
0x139: {  	[sflag:s5] =	ssyncadd.s32 $0xFFFF8300  }
0x13a: {  	p1 =	sne.s32 s1, $0x1;
	_ =	swait.ge [sflag:s8], $0x7D00  }
.Ltmp2:
0x13b: {  	[sflag:s8] =	ssyncset.done $0x0;
	(pc) =	sbr.rel @p1 .LBB2_2-.Ltmp2, $4  }
0x13c: {  	[sflag:s8] =	ssyncadd.s32 $0xFFFF8300  }
0x13d: {  	[hbm4b:s4+s2] =	stream.linear.scatter [tilespmem:s7], [sflag:$0x3], $0x7D00, $0x38;
	[tilespmem:$0xFC00] =	vst v63  }
0x13e: {  	_ =	swait.ge [sflag:s5], $0x7D00  }
0x13f: {  	s1 =	sadd.s32 $0xFFFFFFFF, s1;
	s0 =	rddreg [dreg:$0x3];
	[sflag:s5] =	ssyncset.done $0x0  }
.LBB2_3:
0x140: {  	[sflag:s5] =	ssyncadd.s32 @p0 $0xFFFF8300  }
0x141: {  	[tilespmem:s2], [sflag:$0x4] =	stream.linear.gather [hbm4b:s0+s2], $0x200, $0x38;
	[tilespmem:$0xFC00] =	vst v63  }
0x142: {  	_ =	swait.ge [sflag:s31], $0x200  }
0x143: {  	[sflag:s31] =	ssyncset.done $0x0  }
0x144: {  	[sflag:s31] =	ssyncadd.s32 $0xFFFFFE00  }
0x145: {  	[tilespmem:s10], [sflag:$0x1] =	stream.indirect.gather [hbm4b:s3+s9], $0x3E8, s2, s9, $0xb8;
	[tilespmem:$0xFC00] =	vst v63  }
0x146: {  	_ =	swait.ge [sflag:s12], $0x7D00  }
0x147: {  	[sflag:s12] =	ssyncset.done $0x0  }
0x148: {  	[sflag:s12] =	ssyncadd.s32 $0xFFFF8300  }
0x149: {  	[tilespmem:s7], [sflag:$0x2] =	stream.indirect.gather [hbm4b:s3+s9], $0x3E8, s9, s9, $0xb8;
	[tilespmem:$0xFC00] =	vst v63  }
0x14a: {  	s1 =	rddreg [dreg:$0x4]  }
0x14b: {  	[hbm4b:s1+s2] =	stream.linear.scatter [tilespmem:s10], [sflag:$0x3], $0x7D00, $0x38;
	[tilespmem:$0xFC00] =	vst v63  }
0x14c: {  	_ =	swait.ge [sflag:s5], $0x7D00  }
0x14d: {  	[sflag:s5] =	ssyncset.done $0x0  }
0x14e: {  	[sflag:s5] =	ssyncadd.s32 $0xFFFF8300  }
0x14f: {  	_ =	swait.ge [sflag:s8], $0x7D00  }
0x150: {  	[sflag:s8] =	ssyncset.done $0x0  }
0x151: {  	[sflag:s8] =	ssyncadd.s32 $0xFFFF8300  }
0x152: {  	[tilespmem:s10], [sflag:$0x1] =	stream.indirect.gather [hbm4b:s3+s9], $0x3E8, s30, s9, $0xb8;
	[tilespmem:$0xFC00] =	vst v63  }
0x153: {  	s31 =	rddreg [dreg:$0x5]  }
0x154: {  	[hbm4b:s31+s2] =	stream.linear.scatter [tilespmem:s7], [sflag:$0x3], $0x7D00, $0x38;
	[tilespmem:$0xFC00] =	vst v63  }
0x155: {  	_ =	swait.ge [sflag:s5], $0x7D00  }
0x156: {  	[sflag:s5] =	ssyncset.done $0x0  }
0x157: {  	[sflag:s5] =	ssyncadd.s32 $0xFFFF8300  }
0x158: {  	_ =	swait.ge [sflag:s12], $0x7D00  }
0x159: {  	[sflag:s12] =	ssyncset.done $0x0  }
0x15a: {  	[sflag:s12] =	ssyncadd.s32 $0xFFFF8300  }
0x15b: {  	[tilespmem:s7], [sflag:$0x2] =	stream.indirect.gather [hbm4b:s3+s9], $0x3E8, s29, s9, $0xb8;
	[tilespmem:$0xFC00] =	vst v63  }
0x15c: {  	s1 =	rddreg [dreg:$0x6]  }
0x15d: {  	[hbm4b:s1+s2] =	stream.linear.scatter [tilespmem:s10], [sflag:$0x3], $0x7D00, $0x38;
	[tilespmem:$0xFC00] =	vst v63  }
0x15e: {  	_ =	swait.ge [sflag:s5], $0x7D00  }
0x15f: {  	[sflag:s5] =	ssyncset.done $0x0  }
0x160: {  	[sflag:s5] =	ssyncadd.s32 $0xFFFF8300  }
0x161: {  	_ =	swait.ge [sflag:s8], $0x7D00  }
0x162: {  	[sflag:s8] =	ssyncset.done $0x0  }
0x163: {  	[sflag:s8] =	ssyncadd.s32 $0xFFFF8300  }
0x164: {  	[tilespmem:s10], [sflag:$0x1] =	stream.indirect.gather [hbm4b:s3+s9], $0x3E8, s28, s9, $0xb8;
	[tilespmem:$0xFC00] =	vst v63  }
0x165: {  	s30 =	rddreg [dreg:$0x7]  }
0x166: {  	[hbm4b:s30+s2] =	stream.linear.scatter [tilespmem:s7], [sflag:$0x3], $0x7D00, $0x38;
	[tilespmem:$0xFC00] =	vst v63  }
0x167: {  	_ =	swait.ge [sflag:s5], $0x7D00  }
0x168: {  	[sflag:s5] =	ssyncset.done $0x0  }
0x169: {  	[sflag:s5] =	ssyncadd.s32 $0xFFFF8300  }
0x16a: {  	_ =	swait.ge [sflag:s12], $0x7D00  }
0x16b: {  	[sflag:s12] =	ssyncset.done $0x0  }
0x16c: {  	[sflag:s12] =	ssyncadd.s32 $0xFFFF8300  }
0x16d: {  	[tilespmem:s7], [sflag:$0x2] =	stream.indirect.gather [hbm4b:s3+s9], $0x3E8, s26, s9, $0xb8;
	[tilespmem:$0xFC00] =	vst v63  }
0x16e: {  	s31 =	rddreg [dreg:$0x8]  }
0x16f: {  	[hbm4b:s31+s2] =	stream.linear.scatter [tilespmem:s10], [sflag:$0x3], $0x7D00, $0x38;
	[tilespmem:$0xFC00] =	vst v63  }
0x170: {  	_ =	swait.ge [sflag:s5], $0x7D00  }
0x171: {  	[sflag:s5] =	ssyncset.done $0x0  }
0x172: {  	[sflag:s5] =	ssyncadd.s32 $0xFFFF8300  }
0x173: {  	_ =	swait.ge [sflag:s8], $0x7D00  }
0x174: {  	[sflag:s8] =	ssyncset.done $0x0  }
0x175: {  	[sflag:s8] =	ssyncadd.s32 $0xFFFF8300  }
0x176: {  	[tilespmem:s10], [sflag:$0x1] =	stream.indirect.gather [hbm4b:s3+s9], $0x3E8, s25, s9, $0xb8;
	[tilespmem:$0xFC00] =	vst v63  }
0x177: {  	s1 =	rddreg [dreg:$0x9]  }
0x178: {  	[hbm4b:s1+s2] =	stream.linear.scatter [tilespmem:s7], [sflag:$0x3], $0x7D00, $0x38;
	[tilespmem:$0xFC00] =	vst v63  }
0x179: {  	_ =	swait.ge [sflag:s5], $0x7D00  }
0x17a: {  	[sflag:s5] =	ssyncset.done $0x0  }
0x17b: {  	[sflag:s5] =	ssyncadd.s32 $0xFFFF8300  }
0x17c: {  	_ =	swait.ge [sflag:s12], $0x7D00  }
0x17d: {  	[sflag:s12] =	ssyncset.done $0x0  }
0x17e: {  	[sflag:s12] =	ssyncadd.s32 $0xFFFF8300  }
0x17f: {  	[tilespmem:s7], [sflag:$0x2] =	stream.indirect.gather [hbm4b:s3+s9], $0x3E8, s24, s9, $0xb8;
	[tilespmem:$0xFC00] =	vst v63  }
0x180: {  	s26 =	rddreg [dreg:$0xa]  }
0x181: {  	[hbm4b:s26+s2] =	stream.linear.scatter [tilespmem:s10], [sflag:$0x3], $0x7D00, $0x38;
	[tilespmem:$0xFC00] =	vst v63  }
0x182: {  	_ =	swait.ge [sflag:s5], $0x7D00  }
0x183: {  	[sflag:s5] =	ssyncset.done $0x0  }
0x184: {  	[sflag:s5] =	ssyncadd.s32 $0xFFFF8300  }
0x185: {  	_ =	swait.ge [sflag:s8], $0x7D00  }
0x186: {  	[sflag:s8] =	ssyncset.done $0x0  }
0x187: {  	[sflag:s8] =	ssyncadd.s32 $0xFFFF8300  }
0x188: {  	[tilespmem:s10], [sflag:$0x1] =	stream.indirect.gather [hbm4b:s3+s9], $0x3E8, s23, s9, $0xb8;
	[tilespmem:$0xFC00] =	vst v63  }
0x189: {  	s28 =	rddreg [dreg:$0xb]  }
0x18a: {  	[hbm4b:s28+s2] =	stream.linear.scatter [tilespmem:s7], [sflag:$0x3], $0x7D00, $0x38;
	[tilespmem:$0xFC00] =	vst v63  }
0x18b: {  	_ =	swait.ge [sflag:s5], $0x7D00  }
0x18c: {  	[sflag:s5] =	ssyncset.done $0x0  }
0x18d: {  	[sflag:s5] =	ssyncadd.s32 $0xFFFF8300  }
0x18e: {  	_ =	swait.ge [sflag:s12], $0x7D00  }
0x18f: {  	[sflag:s12] =	ssyncset.done $0x0  }
0x190: {  	[sflag:s12] =	ssyncadd.s32 $0xFFFF8300  }
0x191: {  	[tilespmem:s7], [sflag:$0x2] =	stream.indirect.gather [hbm4b:s3+s9], $0x3E8, s22, s9, $0xb8;
	[tilespmem:$0xFC00] =	vst v63  }
0x192: {  	s29 =	rddreg [dreg:$0xc]  }
0x193: {  	[hbm4b:s29+s2] =	stream.linear.scatter [tilespmem:s10], [sflag:$0x3], $0x7D00, $0x38;
	[tilespmem:$0xFC00] =	vst v63  }
0x194: {  	_ =	swait.ge [sflag:s5], $0x7D00  }
0x195: {  	[sflag:s5] =	ssyncset.done $0x0  }
0x196: {  	[sflag:s5] =	ssyncadd.s32 $0xFFFF8300  }
0x197: {  	_ =	swait.ge [sflag:s8], $0x7D00  }
0x198: {  	[sflag:s8] =	ssyncset.done $0x0  }
0x199: {  	[sflag:s8] =	ssyncadd.s32 $0xFFFF8300  }
0x19a: {  	[tilespmem:s10], [sflag:$0x1] =	stream.indirect.gather [hbm4b:s3+s9], $0x3E8, s21, s9, $0xb8;
	[tilespmem:$0xFC00] =	vst v63  }
0x19b: {  	s30 =	rddreg [dreg:$0xd]  }
0x19c: {  	[hbm4b:s30+s2] =	stream.linear.scatter [tilespmem:s7], [sflag:$0x3], $0x7D00, $0x38;
	[tilespmem:$0xFC00] =	vst v63  }
0x19d: {  	_ =	swait.ge [sflag:s5], $0x7D00  }
0x19e: {  	[sflag:s5] =	ssyncset.done $0x0  }
0x19f: {  	[sflag:s5] =	ssyncadd.s32 $0xFFFF8300  }
0x1a0: {  	_ =	swait.ge [sflag:s12], $0x7D00  }
0x1a1: {  	[sflag:s12] =	ssyncset.done $0x0  }
0x1a2: {  	[sflag:s12] =	ssyncadd.s32 $0xFFFF8300  }
0x1a3: {  	[tilespmem:s7], [sflag:$0x2] =	stream.indirect.gather [hbm4b:s3+s9], $0x3E8, s20, s9, $0xb8;
	[tilespmem:$0xFC00] =	vst v63  }
0x1a4: {  	_ = 	snop  }
0x1a5: {  	[hbm4b:s16+s2] =	stream.linear.scatter [tilespmem:s10], [sflag:$0x3], $0x7D00, $0x38;
	[tilespmem:$0xFC00] =	vst v63  }
0x1a6: {  	_ =	swait.ge [sflag:s5], $0x7D00  }
0x1a7: {  	[sflag:s5] =	ssyncset.done $0x0  }
0x1a8: {  	[sflag:s5] =	ssyncadd.s32 $0xFFFF8300  }
0x1a9: {  	_ =	swait.ge [sflag:s8], $0x7D00  }
0x1aa: {  	[sflag:s8] =	ssyncset.done $0x0  }
0x1ab: {  	[sflag:s8] =	ssyncadd.s32 $0xFFFF8300  }
0x1ac: {  	[tilespmem:s10], [sflag:$0x1] =	stream.indirect.gather [hbm4b:s3+s9], $0x3E8, s19, s9, $0xb8;
	[tilespmem:$0xFC00] =	vst v63  }
0x1ad: {  	_ = 	snop  }
0x1ae: {  	[hbm4b:s14+s2] =	stream.linear.scatter [tilespmem:s7], [sflag:$0x3], $0x7D00, $0x38;
	[tilespmem:$0xFC00] =	vst v63  }
0x1af: {  	_ =	swait.ge [sflag:s5], $0x7D00  }
0x1b0: {  	[sflag:s5] =	ssyncset.done $0x0  }
0x1b1: {  	[sflag:s5] =	ssyncadd.s32 $0xFFFF8300  }
0x1b2: {  	_ =	swait.ge [sflag:s12], $0x7D00  }
0x1b3: {  	[sflag:s12] =	ssyncset.done $0x0  }
0x1b4: {  	[sflag:s12] =	ssyncadd.s32 $0xFFFF8300  }
0x1b5: {  	[tilespmem:s7], [sflag:$0x2] =	stream.indirect.gather [hbm4b:s3+s9], $0x3E8, s18, s9, $0xb8;
	[tilespmem:$0xFC00] =	vst v63  }
0x1b6: {  	_ = 	snop  }
0x1b7: {  	[hbm4b:s13+s2] =	stream.linear.scatter [tilespmem:s10], [sflag:$0x3], $0x7D00, $0x38;
	[tilespmem:$0xFC00] =	vst v63  }
0x1b8: {  	_ =	swait.ge [sflag:s5], $0x7D00  }
0x1b9: {  	[sflag:s5] =	ssyncset.done $0x0  }
0x1ba: {  	[sflag:s5] =	ssyncadd.s32 $0xFFFF8300  }
0x1bb: {  	_ =	swait.ge [sflag:s8], $0x7D00  }
0x1bc: {  	[sflag:s8] =	ssyncset.done $0x0  }
0x1bd: {  	[sflag:s8] =	ssyncadd.s32 $0xFFFF8300  }
0x1be: {  	[tilespmem:s10], [sflag:$0x1] =	stream.indirect.gather [hbm4b:s3+s9], $0x3E8, s17, s9, $0xb8;
	[tilespmem:$0xFC00] =	vst v63  }
0x1bf: {  	_ = 	snop  }
0x1c0: {  	[hbm4b:s11+s2] =	stream.linear.scatter [tilespmem:s7], [sflag:$0x3], $0x7D00, $0x38;
	[tilespmem:$0xFC00] =	vst v63  }
0x1c1: {  	_ =	swait.ge [sflag:s5], $0x7D00  }
0x1c2: {  	[sflag:s5] =	ssyncset.done $0x0  }
0x1c3: {  	[sflag:s5] =	ssyncadd.s32 $0xFFFF8300  }
0x1c4: {  	_ =	swait.ge [sflag:s12], $0x7D00  }
0x1c5: {  	[sflag:s12] =	ssyncset.done $0x0  }
0x1c6: {  	[sflag:s12] =	ssyncadd.s32 $0xFFFF8300  }
0x1c7: {  	[tilespmem:s7], [sflag:$0x2] =	stream.indirect.gather [hbm4b:s3+s9], $0x3E8, s15, s9, $0xb8;
	[tilespmem:$0xFC00] =	vst v63  }
0x1c8: {  	_ = 	snop  }
0x1c9: {  	[hbm4b:s6+s2] =	stream.linear.scatter [tilespmem:s10], [sflag:$0x3], $0x7D00, $0x38;
	[tilespmem:$0xFC00] =	vst v63  }
0x1ca: {  	_ =	swait.ge [sflag:s5], $0x7D00  }
0x1cb: {  	[sflag:s5] =	ssyncset.done $0x0  }
0x1cc: {  	[sflag:s5] =	ssyncadd.s32 $0xFFFF8300  }
0x1cd: {  	_ =	swait.ge [sflag:s8], $0x7D00  }
0x1ce: {  	[sflag:s8] =	ssyncset.done $0x0  }
0x1cf: {  	[sflag:s8] =	ssyncadd.s32 $0xFFFF8300  }
0x1d0: {  	[hbm4b:s4+s2] =	stream.linear.scatter [tilespmem:s7], [sflag:$0x3], $0x7D00, $0x38;
	[tilespmem:$0xFC00] =	vst v63  }
0x1d1: {  	_ =	swait.ge [sflag:s5], $0x7D00  }
0x1d2: {  	[sflag:s5] =	ssyncset.done $0x0  }
0x1d3: {  	[sflag:s5] =	ssyncadd.s32 $0xFFFF8300  }
0x1d4: {  	_ =	sfence.sel $0x180000  }
0x1d5: {  	[bflag:$0x0] =	sbarrier.arrive $0xFFFF  }
0x1d6: {  	_ =	strace $0x90000047  }
0x1d7: {  	s31 =	stileid.u32;
	[bflag:$0x2] =	sbarrier.arrive $0xFFFF  }
0x1d8: {  	p0 =	sne.s32 s31, $0x0;
	s0 =	rddreg [dreg:$0x2]  }
0x1d9: {  	s0 =	sadd.s32 @!p0 $0x100000, s0  }
0x1da: {  	[sflag:s0] =	ssyncadd.tile.s32 @!p0 $0x1;
	_ =	shalt  }
.Lfunc_end2:
_tile_overlayer_lowered:
.L_overlay_start_2:
0x1db: {  	(tag) =	ssettag $0x2  }
0x1dc: {  	s0 =	rddreg [dreg:$0x0];
	s2 =	stileid.u32  }
0x1dd: {  	s1 =	rddreg [dreg:$0x1];
	p0 =	sne.s32 s2, $0x0  }
0x1de: {  	s3 =	rddreg [dreg:$0x2];
	[bflag:$0x3] =	sbarrier.arrive $0xFFFF;
	s2 =	simm.s32 @!p0 $0x1C04  }
0x1df: {  	[timem:s3], [sflag:s2] =	dma.local @!p0 [hbm:s0], s1  }
0x1e0: {  	s0 =	simm.s32 @!p0 $0x4  }
0x1e1: {  	_ =	swait.ge @!p0 [sflag:s0], s1  }
0x1e2: {  	s1 =	ssub.s32 @!p0 $0x0, s1;
	[sflag:s0] =	ssyncset.done @!p0 $0x0  }
0x1e3: {  	[sflag:s0] =	ssyncadd.s32 @!p0 s1  }
0x1e4: {  	[bflag:$0x3] =	sbarrier.arrive $0xFFFF  }
0x1e5: {  	_ =	shalt  }

</sc_bundles>
